<compile_context>
chip_gen: v7x
topology: tpu7x:2x2x1
jax: 0.10.2.dev20260603
libtpu: 0.0.44.dev20260713+nightly
codegen_flags: <defaults>
</compile_context>

<pallas_src>
import math

import jax
import jax.numpy as jnp
from jax.experimental import pallas as pl
from jax.experimental.pallas import tpu as pltpu
from jax.experimental.pallas import tpu_sc as plsc

_Q = 1024
_B = 2048
_NS = 30
_NR = 25


def _nn_body(q2_ref, qq_ref, pt_ref, pp_ref, outs_ref, outr_ref, rm_ref, ri_ref):
    j = pl.program_id(0)

    @pl.when((j == 0) | (j == _NS))
    def _init():
        rm_ref[...] = jnp.full(rm_ref.shape, jnp.inf, jnp.float32)
        ri_ref[...] = jnp.zeros(ri_ref.shape, jnp.int32)

    mm2 = jax.lax.dot_general(
        q2_ref[0], pt_ref[...], (((1,), (0,)), ((), ())),
        preferred_element_type=jnp.float32)
    t = qq_ref[0] + pp_ref[...]
    d2 = t - mm2
    rm = rm_ref[...]
    lt = d2 < rm
    rm_ref[...] = jnp.minimum(d2, rm)
    ri_ref[...] = jnp.where(lt, j, ri_ref[...])

    def _argmin(base):
        rmf = rm_ref[...]
        pos = jax.lax.broadcasted_iota(jnp.int32, (_Q, _B), 1)
        gidx = (ri_ref[...] - base) * _B + pos
        best = jnp.min(rmf, axis=1, keepdims=True)
        ii = jnp.where(rmf == best, gidx, jnp.int32(2**30))
        return jnp.min(ii, axis=1, keepdims=True)

    @pl.when(j == _NS - 1)
    def _fin_src():
        outs_ref[...] = _argmin(0)

    @pl.when(j == _NS + _NR - 1)
    def _fin_ref():
        outr_ref[...] = _argmin(_NS)


def _nn_argmin(src_c, src_pts, ref_c, ref_pts):

    def prep(queries, points, npad):
        n = points.shape[0]
        q2 = jnp.pad(queries * 2.0, ((0, 0), (0, 5)))
        qq = jnp.sum(queries * queries, axis=1, keepdims=True)
        pt = jnp.pad(points.T, ((0, 5), (0, npad - n)))
        pp = jnp.sum(points * points, axis=1)
        pp = jnp.pad(pp, (0, npad - n), constant_values=jnp.inf)[None, :]
        return q2, qq, pt, pp

    q2s, qqs, pts, pps = prep(src_c, src_pts, _NS * _B)
    q2r, qqr, ptr, ppr = prep(ref_c, ref_pts, _NR * _B)
    q2 = jnp.stack([q2s, q2r])
    qq = jnp.stack([qqs, qqr])
    pt = jnp.concatenate([pts, ptr], axis=1)
    pp = jnp.concatenate([pps, ppr], axis=1)

    cloud = lambda j: jnp.where(j < _NS, 0, 1)
    return pl.pallas_call(
        _nn_body,
        grid=(_NS + _NR,),
        in_specs=[
            pl.BlockSpec((1, _Q, 8), lambda j: (cloud(j), 0, 0)),
            pl.BlockSpec((1, _Q, 1), lambda j: (cloud(j), 0, 0)),
            pl.BlockSpec((8, _B), lambda j: (0, j)),
            pl.BlockSpec((1, _B), lambda j: (0, j)),
        ],
        out_specs=[
            pl.BlockSpec((_Q, 1), lambda j: (0, 0)),
            pl.BlockSpec((_Q, 1), lambda j: (0, 0)),
        ],
        out_shape=[
            jax.ShapeDtypeStruct((_Q, 1), jnp.int32),
            jax.ShapeDtypeStruct((_Q, 1), jnp.int32),
        ],
        scratch_shapes=[
            pltpu.VMEM((_Q, _B), jnp.float32),
            pltpu.VMEM((_Q, _B), jnp.int32),
        ],
    )(q2, qq, pt, pp)


_SC_MESH = dict(core_axis_name="c", subcore_axis_name="s",
                num_cores=2, num_subcores=16)
_BMS = 61440
_BMR = 51200


def _sc_scatter_body(sback, rback, zeros_h, ones_h, bms, bmr,
                     shared, idx_s, ones_s, idx_r, ones_r):
    c = jax.lax.axis_index("c")
    s = jax.lax.axis_index("s")

    @pl.when(c == 0)
    def _src():
        zl = _BMS // 16
        pltpu.sync_copy(zeros_h.at[pl.ds(s * zl, zl)],
                        shared.at[pl.ds(s * zl, zl)])
        pltpu.sync_copy(sback.at[pl.ds(s * 1920, 1920)], idx_s)
        pltpu.sync_copy(ones_h.at[pl.ds(0, 1920)], ones_s)
        plsc.subcore_barrier()
        pltpu.sync_copy(ones_s, shared.at[idx_s])
        plsc.subcore_barrier()
        pltpu.sync_copy(shared.at[pl.ds(s * zl, zl)],
                        bms.at[pl.ds(s * zl, zl)])

    @pl.when(c == 1)
    def _ref():
        zl = _BMR // 16
        pltpu.sync_copy(zeros_h.at[pl.ds(s * zl, zl)],
                        shared.at[pl.ds(s * zl, zl)])
        pltpu.sync_copy(rback.at[pl.ds(s * 1600, 1600)], idx_r)
        pltpu.sync_copy(ones_h.at[pl.ds(0, 1600)], ones_r)
        plsc.subcore_barrier()
        pltpu.sync_copy(ones_r, shared.at[idx_r])
        plsc.subcore_barrier()
        pltpu.sync_copy(shared.at[pl.ds(s * zl, zl)],
                        bmr.at[pl.ds(s * zl, zl)])


def _sc_scatter(src_back, ref_back):
    sback = jnp.pad(src_back, (0, 30720 - src_back.shape[0]),
                    constant_values=_BMS - 1)
    rback = jnp.pad(ref_back, (0, 25600 - ref_back.shape[0]),
                    constant_values=_BMR - 1)
    zeros_h = jnp.zeros((_BMS,), jnp.float32)
    ones_h = jnp.ones((1920,), jnp.float32)
    f = pl.kernel(
        _sc_scatter_body,
        out_type=[
            jax.ShapeDtypeStruct((_BMS,), jnp.float32),
            jax.ShapeDtypeStruct((_BMR,), jnp.float32),
        ],
        mesh=plsc.VectorSubcoreMesh(**_SC_MESH),
        scratch_types=[
            pltpu.VMEM_SHARED((_BMS,), jnp.float32),
            pltpu.VMEM((1920,), jnp.int32),
            pltpu.VMEM((1920,), jnp.float32),
            pltpu.VMEM((1600,), jnp.int32),
            pltpu.VMEM((1600,), jnp.float32),
        ],
    )
    return f(sback, rback, zeros_h, ones_h)


def _sc_gather_body(bms, bmr, idxs, idxr, gx, gy, masks, maskr, mgx, mgy,
                    qi, qv, gi, gidx, gv, sem):
    c = jax.lax.axis_index("c")
    s = jax.lax.axis_index("s")
    w = s * 2 + c
    pltpu.sync_copy(idxs.at[pl.ds(w * 32, 32)], qi)
    pltpu.async_copy(bms.at[qi], qv, sem).wait()
    pltpu.sync_copy(qv, masks.at[pl.ds(w * 32, 32)])
    pltpu.sync_copy(idxr.at[pl.ds(w * 32, 32)], qi)
    pltpu.async_copy(bmr.at[qi], qv, sem).wait()
    pltpu.sync_copy(qv, maskr.at[pl.ds(w * 32, 32)])
    pltpu.sync_copy(gx.at[pl.ds(w * 64, 64)], gi)
    pltpu.async_copy(idxr.at[gi], gidx, sem).wait()
    pltpu.async_copy(bmr.at[gidx], gv, sem).wait()
    pltpu.sync_copy(gv, mgx.at[pl.ds(w * 64, 64)])
    pltpu.sync_copy(gy.at[pl.ds(w * 64, 64)], gi)
    pltpu.async_copy(idxs.at[gi], gidx, sem).wait()
    pltpu.async_copy(bms.at[gidx], gv, sem).wait()
    pltpu.sync_copy(gv, mgy.at[pl.ds(w * 64, 64)])


def _sc_gather(bm_src, bm_ref, idx_src, idx_ref, gx, gy):
    f = pl.kernel(
        _sc_gather_body,
        out_type=[
            jax.ShapeDtypeStruct((_Q,), jnp.float32),
            jax.ShapeDtypeStruct((_Q,), jnp.float32),
            jax.ShapeDtypeStruct((2048,), jnp.float32),
            jax.ShapeDtypeStruct((2048,), jnp.float32),
        ],
        mesh=plsc.VectorSubcoreMesh(**_SC_MESH),
        scratch_types=[
            pltpu.VMEM((32,), jnp.int32),
            pltpu.VMEM((32,), jnp.float32),
            pltpu.VMEM((64,), jnp.int32),
            pltpu.VMEM((64,), jnp.int32),
            pltpu.VMEM((64,), jnp.float32),
            pltpu.SemaphoreType.DMA,
        ],
    )
    return f(bm_src, bm_ref, idx_src, idx_ref, gx, gy)


def _pairs_body(mr_r, ms_r, mg_c, mg_r, refn_c, refn_r, srcn_c, srcn_r,
                gx_c, gx_r, gy_c, gy_r, ov_c, ov_r,
                loss_ref, loss1_ref, loss2_ref, gtm_ref):
    f32 = jnp.float32
    keC = refn_c[...] * 1024 + srcn_c[...]
    keR = refn_r[...] * 1024 + srcn_r[...]
    eqE = keC == keR
    iE_r = jax.lax.broadcasted_iota(jnp.int32, (512, 512), 0)
    iE_c = jax.lax.broadcasted_iota(jnp.int32, (512, 512), 1)
    dupE = jnp.any(eqE & (iE_c < iE_r), axis=1, keepdims=True)
    n_pos = jnp.sum(jnp.where(dupE, f32(0), f32(1)))

    mC = mg_c[...] > 0
    mR = mg_r[...] > 0

    kgC = gx_c[...] * 1024 + gy_c[...]
    kgR = gx_r[...] * 1024 + gy_r[...]
    eqG = kgC == kgR
    iG_r = jax.lax.broadcasted_iota(jnp.int32, (2048, 2048), 0)
    iG_c = jax.lax.broadcasted_iota(jnp.int32, (2048, 2048), 1)
    lower = eqG & (iG_c < iG_r)
    upper = eqG & (iG_c > iG_r)
    firstC = ~jnp.any(lower, axis=1, keepdims=True)
    lastC = ~jnp.any(upper, axis=1, keepdims=True)
    firstR = ~jnp.any(upper, axis=0, keepdims=True)
    lastR = ~jnp.any(lower, axis=0, keepdims=True)
    activeC = firstC & mC
    activeR = firstR & mR
    actF = jnp.where(activeC, f32(1), f32(0))
    n_active = jnp.sum(actF)
    ovl_r = jnp.where(lastR, ov_r[...], f32(0))
    ovl_c = jnp.where(lastC, ov_c[...], f32(0))
    vC = jnp.sum(jnp.where(eqG, ovl_r, f32(0)),
                 axis=1, keepdims=True)
    vR = jnp.sum(jnp.where(eqG, ovl_c, f32(0)),
                 axis=0, keepdims=True)

    beats = activeR & ((vR > vC) | ((vR == vC) & (kgR < kgC)))
    rank = jnp.sum(jnp.where(beats, f32(1), f32(0)), axis=1, keepdims=True)
    selF = jnp.where(activeC & (rank < 256.0), f32(1), f32(0))
    use_topk = n_active > 256.0
    gsel = jnp.where(use_topk, selF, actF)
    n_gt = jnp.sum(gsel)
    eshit = jnp.any(kgC == keR, axis=1, keepdims=True)
    n_both = jnp.sum(jnp.where(eshit, gsel, f32(0)))

    nm = f32(1024 * 1024)
    n_pos_c = jnp.maximum(n_pos, f32(1))
    ratio = 1.0 / (n_pos_c / nm)
    sum_abs = n_gt + n_pos - 2.0 * n_both
    loss1 = f32(math.sqrt(2)) * ratio * (sum_abs / nm)
    loss1_ref[0, 0] = loss1
    loss2_ref[0, 0] = f32(0)
    loss_ref[0, 0] = loss1 + f32(0)
    gtm_ref[...] = 1.0 - jnp.concatenate([mr_r[...], ms_r[...]], axis=1)


def _pairs(mask_ref_v, mask_src_v, mg, refn, srcn, gx, gy, ov):
    args = (mask_ref_v.reshape(1, 1024), mask_src_v.reshape(1, 1024),
            mg.reshape(2048, 1), mg.reshape(1, 2048),
            refn.reshape(512, 1), refn.reshape(1, 512),
            srcn.reshape(512, 1), srcn.reshape(1, 512),
            gx.reshape(2048, 1), gx.reshape(1, 2048),
            gy.reshape(2048, 1), gy.reshape(1, 2048),
            ov.reshape(2048, 1), ov.reshape(1, 2048))
    specs = [pl.BlockSpec(a.shape, lambda: (0, 0)) for a in args]
    return pl.pallas_call(
        _pairs_body,
        in_specs=specs,
        out_specs=[
            pl.BlockSpec(memory_space=pltpu.SMEM),
            pl.BlockSpec(memory_space=pltpu.SMEM),
            pl.BlockSpec(memory_space=pltpu.SMEM),
            pl.BlockSpec((1, 2048), lambda: (0, 0)),
        ],
        out_shape=[
            jax.ShapeDtypeStruct((1, 1), jnp.float32),
            jax.ShapeDtypeStruct((1, 1), jnp.float32),
            jax.ShapeDtypeStruct((1, 1), jnp.float32),
            jax.ShapeDtypeStruct((1, 2048), jnp.float32),
        ],
    )(*args)


def kernel(src_points, ref_points, src_points_c, ref_points_c,
           src_node_corr_indices, ref_node_corr_indices,
           gt_node_corr_indices, gt_node_corr_overlaps,
           src_back_indices, ref_back_indices):
    bm_src, bm_ref = _sc_scatter(src_back_indices, ref_back_indices)
    idx_src, idx_ref = _nn_argmin(src_points_c, src_points,
                                  ref_points_c, ref_points)
    gx = gt_node_corr_indices[:, 0]
    gy = gt_node_corr_indices[:, 1]
    mask_src, mask_ref, mgx, mgy = _sc_gather(
        bm_src, bm_ref, idx_src.reshape(-1), idx_ref.reshape(-1), gx, gy)
    loss, loss1, loss2, inv_gtm = _pairs(
        mask_ref.reshape(-1), mask_src.reshape(-1), mgx * mgy,
        ref_node_corr_indices, src_node_corr_indices,
        gx, gy, gt_node_corr_overlaps)
    return (loss.reshape(()), loss1.reshape(()), loss2.reshape(()),
            inv_gtm.reshape(2048))

# --- scband reference (transcript-rebuilt; emitter-appended) ---
"""Pipeline reference for scband-laplace-loss-68556267978917 (READ-ONLY COPY).

The authoritative reference and input builder live on the scoring server;
editing this copy changes nothing except your own understanding.
"""

import jax, jax.numpy as jnp
import numpy as np
import math


def _nn_indices(full_points, corr_points):
    # argmin over squared euclidean distance == torch.cdist(...,p=2).min(dim=1).indices
    d2 = (jnp.sum(corr_points * corr_points, axis=1, keepdims=True)
          + jnp.sum(full_points * full_points, axis=1)[None, :]
          - 2.0 * corr_points @ full_points.T)
    return jnp.argmin(d2, axis=1)


def _isin(a, b):
    # positions i where a[i] is in set(b) -- equivalent to the set-intersection +
    # nonzero(indices.unsqueeze(1) == intersection) logic in the torch code
    return (a[:, None] == b[None, :]).any(axis=1)


def setup_inputs(seed: int = 0):
    key = jax.random.key(seed)
    ks = jax.random.split(key, 10)
    return {
        "src_points": jax.random.normal(ks[0], (60000, 3), dtype=jnp.float32),
        "ref_points": jax.random.normal(ks[1], (50000, 3), dtype=jnp.float32),
        "src_points_c": jax.random.normal(ks[2], (1024, 3), dtype=jnp.float32),
        "ref_points_c": jax.random.normal(ks[3], (1024, 3), dtype=jnp.float32),
        "src_node_corr_indices": jax.random.randint(ks[4], (512,), 0, 1024, dtype=jnp.int32),
        "ref_node_corr_indices": jax.random.randint(ks[5], (512,), 0, 1024, dtype=jnp.int32),
        "gt_node_corr_indices": jax.random.randint(ks[6], (2048, 2), 0, 1024, dtype=jnp.int32),
        "gt_node_corr_overlaps": jax.random.uniform(ks[7], (2048,), dtype=jnp.float32),
        "src_back_indices": jax.random.randint(ks[8], (30000,), 0, 60000, dtype=jnp.int32),
        "ref_back_indices": jax.random.randint(ks[9], (25000,), 0, 50000, dtype=jnp.int32),
    }


def reference(src_points, ref_points, src_points_c, ref_points_c,
              src_node_corr_indices, ref_node_corr_indices,
              gt_node_corr_indices, gt_node_corr_overlaps,
              src_back_indices, ref_back_indices):
    max_points = 256
    indices_src = _nn_indices(src_points, src_points_c)
    indices_ref = _nn_indices(ref_points, ref_points_c)
    m = indices_ref.shape[0]
    n = indices_src.shape[0]
    # corr_es scatter-overwrite of 1.0 at predicted correspondence pairs
    corr_es = jnp.zeros((m, n), jnp.float32).at[ref_node_corr_indices, src_node_corr_indices].set(1.0)
    mask_ref = _isin(indices_ref, ref_back_indices.astype(indices_ref.dtype))
    mask_src = _isin(indices_src, src_back_indices.astype(indices_src.dtype))
    gx = gt_node_corr_indices[:, 0]
    gy = gt_node_corr_indices[:, 1]
    corr_gt = jnp.zeros((m, n), jnp.float32).at[gx, gy].set(1.0)
    corr_overlap = jnp.zeros((m, n), jnp.float32).at[gx, gy].set(gt_node_corr_overlaps)
    mask = mask_ref[:, None] & mask_src[None, :]
    corr_gt = jnp.where(mask, corr_gt, 0.0)
    gt_mask = jnp.concatenate([mask_ref, mask_src], axis=0).astype(jnp.float32)
    indices_back = jnp.sum(corr_gt > 0)
    flat_gt = corr_gt.reshape(-1)
    flat_overlap = corr_overlap.reshape(-1)
    order = jnp.argsort(jnp.where(flat_gt > 0, -flat_overlap, jnp.inf))
    top = order[:max_points]
    corr_gt_topk = jnp.zeros_like(flat_gt).at[top].set(1.0).reshape(m, n)
    corr_gt = jnp.where(indices_back > max_points, corr_gt_topk, corr_gt)
    # stage == 1 -> corr_sp_mask = ones(m+n); log_var_mask = 1 - corr_sp_mask
    corr_sp_mask = jnp.ones(m + n, jnp.float32)
    log_var_mask = 1.0 - corr_sp_mask
    ref_mask = log_var_mask[:m]
    src_mask = log_var_mask[m:m + n]
    laplace_mask = jnp.outer(ref_mask, src_mask)
    n_pos = jnp.maximum(jnp.sum(corr_es > 0), 1)
    indice_ratio = 1.0 / (n_pos / (n * m))
    loss1 = (math.sqrt(2) * indice_ratio * jnp.exp(-0.5 * laplace_mask) * jnp.abs(corr_gt - corr_es)).mean()
    loss2 = 0.5 * laplace_mask.mean()
    loss = loss1 + loss2
    return (loss, loss1, loss2, 1.0 - gt_mask)

if __name__ == "__main__":
    import jax
    _d = setup_inputs()
    print(jax.jit(kernel)(*tuple(_d.values())))

</pallas_src>

<mosaic_0001>
#map = affine_map<(d0, d1) -> (0)>
module attributes {stable_mosaic.version = 14 : i64} {
  func.func @_sc_scatter_body(%arg0: i32, %arg1: i32, %arg2: memref<30720xi32, #tpu.memory_space<hbm>>, %arg3: memref<25600xi32, #tpu.memory_space<hbm>>, %arg4: memref<61440xf32, #tpu.memory_space<hbm>>, %arg5: memref<1920xf32, #tpu.memory_space<hbm>>, %arg6: memref<61440xf32, #tpu.memory_space<hbm>>, %arg7: memref<51200xf32, #tpu.memory_space<hbm>>, %arg8: memref<61440xf32, #tpu.memory_space<vmem_shared>>, %arg9: memref<1920xi32, #tpu.memory_space<vmem>>, %arg10: memref<1920xf32, #tpu.memory_space<vmem>>, %arg11: memref<1600xi32, #tpu.memory_space<vmem>>, %arg12: memref<1600xf32, #tpu.memory_space<vmem>>) attributes {dimension_semantics = [#tpu.dimension_semantics<core_parallel>, #tpu.dimension_semantics<subcore_parallel>], iteration_bounds = array<i64: 2, 16>, scalar_prefetch = 0 : i64, scratch_operands = 5 : i64, tpu.core_type = #tpu.core_type<sc_vector_subcore>, window_params = [{transform_indices = #map}, {transform_indices = #map}, {transform_indices = #map}, {transform_indices = #map}, {transform_indices = #map}, {transform_indices = #map}]} {
    %eq3A = arith.constant 0 : i32
    %eq3A_0 = arith.cmpi eq, %arg0, %eq3A : i32
    %convert_element_type3A = arith.extui %eq3A_0 : i1 to i32
    %cond3A = arith.constant 0 : i32
    %cond3A_1 = arith.cmpi ne, %convert_element_type3A, %cond3A : i32
    scf.if %cond3A_1 {
      %mul3A = arith.constant 3840 : i32
      %mul3A_7 = arith.muli %arg1, %mul3A : i32
      %mul3A_8 = arith.constant 3840 : i32
      %mul3A_9 = arith.muli %arg1, %mul3A_8 : i32
      "tpu.region"() ({
        %run_scoped3A = tpu.sem_alloc : memref<!tpu.dma_semaphore, #tpu.memory_space<semaphore_mem>>
        %dma_start3A = tpu.memref_slice %arg8[%mul3A_9] : memref<61440xf32, #tpu.memory_space<vmem_shared>> -> memref<3840xf32, #tpu.memory_space<vmem_shared>>
        %dma_start3A_17 = tpu.memref_slice %arg4[%mul3A_7] : memref<61440xf32, #tpu.memory_space<hbm>> -> memref<3840xf32, #tpu.memory_space<hbm>>
        tpu.enqueue_dma source(%dma_start3A_17 : memref<3840xf32, #tpu.memory_space<hbm>>) target(%dma_start3A : memref<3840xf32, #tpu.memory_space<vmem_shared>>) target_semaphore(%run_scoped3A : memref<!tpu.dma_semaphore, #tpu.memory_space<semaphore_mem>>)
        %dma_wait3A = tpu.memref_slice %arg8[%mul3A_9] : memref<61440xf32, #tpu.memory_space<vmem_shared>> -> memref<3840xf32, #tpu.memory_space<vmem_shared>>
        %dma_wait3A_18 = tpu.memref_slice %arg4[%mul3A_7] : memref<61440xf32, #tpu.memory_space<hbm>> -> memref<3840xf32, #tpu.memory_space<hbm>>
        tpu.wait_dma2 semaphore(%run_scoped3A : memref<!tpu.dma_semaphore, #tpu.memory_space<semaphore_mem>>) src(%dma_wait3A_18 : memref<3840xf32, #tpu.memory_space<hbm>>) dst(%dma_wait3A : memref<3840xf32, #tpu.memory_space<vmem_shared>>)
        tpu.yield
      }) : () -> ()
      %mul3A_10 = arith.constant 1920 : i32
      %mul3A_11 = arith.muli %arg1, %mul3A_10 : i32
      "tpu.region"() ({
        %run_scoped3A = tpu.sem_alloc : memref<!tpu.dma_semaphore, #tpu.memory_space<semaphore_mem>>
        %dma_start3A = tpu.memref_slice %arg2[%mul3A_11] : memref<30720xi32, #tpu.memory_space<hbm>> -> memref<1920xi32, #tpu.memory_space<hbm>>
        %dma_start3A_17 = tpu.memref_slice %arg2[%mul3A_11] : memref<30720xi32, #tpu.memory_space<hbm>> -> memref<1920xi32, #tpu.memory_space<hbm>>
        tpu.enqueue_dma source(%dma_start3A_17 : memref<1920xi32, #tpu.memory_space<hbm>>) target(%arg9 : memref<1920xi32, #tpu.memory_space<vmem>>) target_semaphore(%run_scoped3A : memref<!tpu.dma_semaphore, #tpu.memory_space<semaphore_mem>>)
        %dma_wait3A = tpu.memref_slice %arg2[%mul3A_11] : memref<30720xi32, #tpu.memory_space<hbm>> -> memref<1920xi32, #tpu.memory_space<hbm>>
        %dma_wait3A_18 = tpu.memref_slice %arg2[%mul3A_11] : memref<30720xi32, #tpu.memory_space<hbm>> -> memref<1920xi32, #tpu.memory_space<hbm>>
        tpu.wait_dma2 semaphore(%run_scoped3A : memref<!tpu.dma_semaphore, #tpu.memory_space<semaphore_mem>>) src(%dma_wait3A_18 : memref<1920xi32, #tpu.memory_space<hbm>>) dst(%arg9 : memref<1920xi32, #tpu.memory_space<vmem>>)
        tpu.yield
      }) : () -> ()
      "tpu.region"() ({
        %run_scoped3A = tpu.sem_alloc : memref<!tpu.dma_semaphore, #tpu.memory_space<semaphore_mem>>
        %dma_start3A = arith.constant 0 : i32
        %dma_start3A_17 = tpu.memref_slice %arg5[%dma_start3A] : memref<1920xf32, #tpu.memory_space<hbm>> -> memref<1920xf32, #tpu.memory_space<hbm>>
        %dma_start3A_18 = arith.constant 0 : i32
        %dma_start3A_19 = tpu.memref_slice %arg5[%dma_start3A_18] : memref<1920xf32, #tpu.memory_space<hbm>> -> memref<1920xf32, #tpu.memory_space<hbm>>
        tpu.enqueue_dma source(%dma_start3A_19 : memref<1920xf32, #tpu.memory_space<hbm>>) target(%arg10 : memref<1920xf32, #tpu.memory_space<vmem>>) target_semaphore(%run_scoped3A : memref<!tpu.dma_semaphore, #tpu.memory_space<semaphore_mem>>)
        %dma_wait3A = arith.constant 0 : i32
        %dma_wait3A_20 = tpu.memref_slice %arg5[%dma_wait3A] : memref<1920xf32, #tpu.memory_space<hbm>> -> memref<1920xf32, #tpu.memory_space<hbm>>
        %dma_wait3A_21 = arith.constant 0 : i32
        %dma_wait3A_22 = tpu.memref_slice %arg5[%dma_wait3A_21] : memref<1920xf32, #tpu.memory_space<hbm>> -> memref<1920xf32, #tpu.memory_space<hbm>>
        tpu.wait_dma2 semaphore(%run_scoped3A : memref<!tpu.dma_semaphore, #tpu.memory_space<semaphore_mem>>) src(%dma_wait3A_22 : memref<1920xf32, #tpu.memory_space<hbm>>) dst(%arg10 : memref<1920xf32, #tpu.memory_space<vmem>>)
        tpu.yield
      }) : () -> ()
      %barrier3A = arith.constant 0 : index
      tpu.barrier barrier_id(%barrier3A)
      "tpu.region"() ({
        %run_scoped3A = tpu.sem_alloc : memref<!tpu.dma_semaphore, #tpu.memory_space<semaphore_mem>>
        %dma_start3A = arith.constant 0 : i32
        %dma_start3A_17 = tpu.memref_slice %arg8[%dma_start3A] : memref<61440xf32, #tpu.memory_space<vmem_shared>> -> memref<61440xf32, #tpu.memory_space<vmem_shared>>
        tpu.enqueue_indirect_dma source(%arg10 : memref<1920xf32, #tpu.memory_space<vmem>>) target(%dma_start3A_17 : memref<61440xf32, #tpu.memory_space<vmem_shared>>) offsets(%arg9 : memref<1920xi32, #tpu.memory_space<vmem>>) semaphore(%run_scoped3A : memref<!tpu.dma_semaphore, #tpu.memory_space<semaphore_mem>>)
        %dma_wait3A = arith.constant 0 : i32
        %dma_wait3A_18 = tpu.memref_slice %arg8[%dma_wait3A] : memref<61440xf32, #tpu.memory_space<vmem_shared>> -> memref<61440xf32, #tpu.memory_space<vmem_shared>>
        tpu.wait_indirect_dma semaphore(%run_scoped3A : memref<!tpu.dma_semaphore, #tpu.memory_space<semaphore_mem>>) src(%arg10 : memref<1920xf32, #tpu.memory_space<vmem>>) dst(%dma_wait3A_18 : memref<61440xf32, #tpu.memory_space<vmem_shared>>)
        tpu.yield
      }) : () -> ()
      %barrier3A_12 = arith.constant 0 : index
      tpu.barrier barrier_id(%barrier3A_12)
      %mul3A_13 = arith.constant 3840 : i32
      %mul3A_14 = arith.muli %arg1, %mul3A_13 : i32
      %mul3A_15 = arith.constant 3840 : i32
      %mul3A_16 = arith.muli %arg1, %mul3A_15 : i32
      "tpu.region"() ({
        %run_scoped3A = tpu.sem_alloc : memref<!tpu.dma_semaphore, #tpu.memory_space<semaphore_mem>>
        %dma_start3A = tpu.memref_slice %arg6[%mul3A_16] : memref<61440xf32, #tpu.memory_space<hbm>> -> memref<3840xf32, #tpu.memory_space<hbm>>
        %dma_start3A_17 = tpu.memref_slice %arg8[%mul3A_14] : memref<61440xf32, #tpu.memory_space<vmem_shared>> -> memref<3840xf32, #tpu.memory_space<vmem_shared>>
        tpu.enqueue_dma source(%dma_start3A_17 : memref<3840xf32, #tpu.memory_space<vmem_shared>>) target(%dma_start3A : memref<3840xf32, #tpu.memory_space<hbm>>) target_semaphore(%run_scoped3A : memref<!tpu.dma_semaphore, #tpu.memory_space<semaphore_mem>>)
        %dma_wait3A = tpu.memref_slice %arg6[%mul3A_16] : memref<61440xf32, #tpu.memory_space<hbm>> -> memref<3840xf32, #tpu.memory_space<hbm>>
        %dma_wait3A_18 = tpu.memref_slice %arg8[%mul3A_14] : memref<61440xf32, #tpu.memory_space<vmem_shared>> -> memref<3840xf32, #tpu.memory_space<vmem_shared>>
        tpu.wait_dma2 semaphore(%run_scoped3A : memref<!tpu.dma_semaphore, #tpu.memory_space<semaphore_mem>>) src(%dma_wait3A_18 : memref<3840xf32, #tpu.memory_space<vmem_shared>>) dst(%dma_wait3A : memref<3840xf32, #tpu.memory_space<hbm>>)
        tpu.yield
      }) : () -> ()
    } else {
    }
    %eq3A_2 = arith.constant 1 : i32
    %eq3A_3 = arith.cmpi eq, %arg0, %eq3A_2 : i32
    %convert_element_type3A_4 = arith.extui %eq3A_3 : i1 to i32
    %cond3A_5 = arith.constant 0 : i32
    %cond3A_6 = arith.cmpi ne, %convert_element_type3A_4, %cond3A_5 : i32
    scf.if %cond3A_6 {
      %mul3A = arith.constant 3200 : i32
      %mul3A_7 = arith.muli %arg1, %mul3A : i32
      %mul3A_8 = arith.constant 3200 : i32
      %mul3A_9 = arith.muli %arg1, %mul3A_8 : i32
      "tpu.region"() ({
        %run_scoped3A = tpu.sem_alloc : memref<!tpu.dma_semaphore, #tpu.memory_space<semaphore_mem>>
        %dma_start3A = tpu.memref_slice %arg8[%mul3A_9] : memref<61440xf32, #tpu.memory_space<vmem_shared>> -> memref<3200xf32, #tpu.memory_space<vmem_shared>>
        %dma_start3A_17 = tpu.memref_slice %arg4[%mul3A_7] : memref<61440xf32, #tpu.memory_space<hbm>> -> memref<3200xf32, #tpu.memory_space<hbm>>
        tpu.enqueue_dma source(%dma_start3A_17 : memref<3200xf32, #tpu.memory_space<hbm>>) target(%dma_start3A : memref<3200xf32, #tpu.memory_space<vmem_shared>>) target_semaphore(%run_scoped3A : memref<!tpu.dma_semaphore, #tpu.memory_space<semaphore_mem>>)
        %dma_wait3A = tpu.memref_slice %arg8[%mul3A_9] : memref<61440xf32, #tpu.memory_space<vmem_shared>> -> memref<3200xf32, #tpu.memory_space<vmem_shared>>
        %dma_wait3A_18 = tpu.memref_slice %arg4[%mul3A_7] : memref<61440xf32, #tpu.memory_space<hbm>> -> memref<3200xf32, #tpu.memory_space<hbm>>
        tpu.wait_dma2 semaphore(%run_scoped3A : memref<!tpu.dma_semaphore, #tpu.memory_space<semaphore_mem>>) src(%dma_wait3A_18 : memref<3200xf32, #tpu.memory_space<hbm>>) dst(%dma_wait3A : memref<3200xf32, #tpu.memory_space<vmem_shared>>)
        tpu.yield
      }) : () -> ()
      %mul3A_10 = arith.constant 1600 : i32
      %mul3A_11 = arith.muli %arg1, %mul3A_10 : i32
      "tpu.region"() ({
        %run_scoped3A = tpu.sem_alloc : memref<!tpu.dma_semaphore, #tpu.memory_space<semaphore_mem>>
        %dma_start3A = tpu.memref_slice %arg3[%mul3A_11] : memref<25600xi32, #tpu.memory_space<hbm>> -> memref<1600xi32, #tpu.memory_space<hbm>>
        %dma_start3A_17 = tpu.memref_slice %arg3[%mul3A_11] : memref<25600xi32, #tpu.memory_space<hbm>> -> memref<1600xi32, #tpu.memory_space<hbm>>
        tpu.enqueue_dma source(%dma_start3A_17 : memref<1600xi32, #tpu.memory_space<hbm>>) target(%arg11 : memref<1600xi32, #tpu.memory_space<vmem>>) target_semaphore(%run_scoped3A : memref<!tpu.dma_semaphore, #tpu.memory_space<semaphore_mem>>)
        %dma_wait3A = tpu.memref_slice %arg3[%mul3A_11] : memref<25600xi32, #tpu.memory_space<hbm>> -> memref<1600xi32, #tpu.memory_space<hbm>>
        %dma_wait3A_18 = tpu.memref_slice %arg3[%mul3A_11] : memref<25600xi32, #tpu.memory_space<hbm>> -> memref<1600xi32, #tpu.memory_space<hbm>>
        tpu.wait_dma2 semaphore(%run_scoped3A : memref<!tpu.dma_semaphore, #tpu.memory_space<semaphore_mem>>) src(%dma_wait3A_18 : memref<1600xi32, #tpu.memory_space<hbm>>) dst(%arg11 : memref<1600xi32, #tpu.memory_space<vmem>>)
        tpu.yield
      }) : () -> ()
      "tpu.region"() ({
        %run_scoped3A = tpu.sem_alloc : memref<!tpu.dma_semaphore, #tpu.memory_space<semaphore_mem>>
        %dma_start3A = arith.constant 0 : i32
        %dma_start3A_17 = tpu.memref_slice %arg5[%dma_start3A] : memref<1920xf32, #tpu.memory_space<hbm>> -> memref<1600xf32, #tpu.memory_space<hbm>>
        %dma_start3A_18 = arith.constant 0 : i32
        %dma_start3A_19 = tpu.memref_slice %arg5[%dma_start3A_18] : memref<1920xf32, #tpu.memory_space<hbm>> -> memref<1600xf32, #tpu.memory_space<hbm>>
        tpu.enqueue_dma source(%dma_start3A_19 : memref<1600xf32, #tpu.memory_space<hbm>>) target(%arg12 : memref<1600xf32, #tpu.memory_space<vmem>>) target_semaphore(%run_scoped3A : memref<!tpu.dma_semaphore, #tpu.memory_space<semaphore_mem>>)
        %dma_wait3A = arith.constant 0 : i32
        %dma_wait3A_20 = tpu.memref_slice %arg5[%dma_wait3A] : memref<1920xf32, #tpu.memory_space<hbm>> -> memref<1600xf32, #tpu.memory_space<hbm>>
        %dma_wait3A_21 = arith.constant 0 : i32
        %dma_wait3A_22 = tpu.memref_slice %arg5[%dma_wait3A_21] : memref<1920xf32, #tpu.memory_space<hbm>> -> memref<1600xf32, #tpu.memory_space<hbm>>
        tpu.wait_dma2 semaphore(%run_scoped3A : memref<!tpu.dma_semaphore, #tpu.memory_space<semaphore_mem>>) src(%dma_wait3A_22 : memref<1600xf32, #tpu.memory_space<hbm>>) dst(%arg12 : memref<1600xf32, #tpu.memory_space<vmem>>)
        tpu.yield
      }) : () -> ()
      %barrier3A = arith.constant 0 : index
      tpu.barrier barrier_id(%barrier3A)
      "tpu.region"() ({
        %run_scoped3A = tpu.sem_alloc : memref<!tpu.dma_semaphore, #tpu.memory_space<semaphore_mem>>
        %dma_start3A = arith.constant 0 : i32
        %dma_start3A_17 = tpu.memref_slice %arg8[%dma_start3A] : memref<61440xf32, #tpu.memory_space<vmem_shared>> -> memref<61440xf32, #tpu.memory_space<vmem_shared>>
        tpu.enqueue_indirect_dma source(%arg12 : memref<1600xf32, #tpu.memory_space<vmem>>) target(%dma_start3A_17 : memref<61440xf32, #tpu.memory_space<vmem_shared>>) offsets(%arg11 : memref<1600xi32, #tpu.memory_space<vmem>>) semaphore(%run_scoped3A : memref<!tpu.dma_semaphore, #tpu.memory_space<semaphore_mem>>)
        %dma_wait3A = arith.constant 0 : i32
        %dma_wait3A_18 = tpu.memref_slice %arg8[%dma_wait3A] : memref<61440xf32, #tpu.memory_space<vmem_shared>> -> memref<61440xf32, #tpu.memory_space<vmem_shared>>
        tpu.wait_indirect_dma semaphore(%run_scoped3A : memref<!tpu.dma_semaphore, #tpu.memory_space<semaphore_mem>>) src(%arg12 : memref<1600xf32, #tpu.memory_space<vmem>>) dst(%dma_wait3A_18 : memref<61440xf32, #tpu.memory_space<vmem_shared>>)
        tpu.yield
      }) : () -> ()
      %barrier3A_12 = arith.constant 0 : index
      tpu.barrier barrier_id(%barrier3A_12)
      %mul3A_13 = arith.constant 3200 : i32
      %mul3A_14 = arith.muli %arg1, %mul3A_13 : i32
      %mul3A_15 = arith.constant 3200 : i32
      %mul3A_16 = arith.muli %arg1, %mul3A_15 : i32
      "tpu.region"() ({
        %run_scoped3A = tpu.sem_alloc : memref<!tpu.dma_semaphore, #tpu.memory_space<semaphore_mem>>
        %dma_start3A = tpu.memref_slice %arg7[%mul3A_16] : memref<51200xf32, #tpu.memory_space<hbm>> -> memref<3200xf32, #tpu.memory_space<hbm>>
        %dma_start3A_17 = tpu.memref_slice %arg8[%mul3A_14] : memref<61440xf32, #tpu.memory_space<vmem_shared>> -> memref<3200xf32, #tpu.memory_space<vmem_shared>>
        tpu.enqueue_dma source(%dma_start3A_17 : memref<3200xf32, #tpu.memory_space<vmem_shared>>) target(%dma_start3A : memref<3200xf32, #tpu.memory_space<hbm>>) target_semaphore(%run_scoped3A : memref<!tpu.dma_semaphore, #tpu.memory_space<semaphore_mem>>)
        %dma_wait3A = tpu.memref_slice %arg7[%mul3A_16] : memref<51200xf32, #tpu.memory_space<hbm>> -> memref<3200xf32, #tpu.memory_space<hbm>>
        %dma_wait3A_18 = tpu.memref_slice %arg8[%mul3A_14] : memref<61440xf32, #tpu.memory_space<vmem_shared>> -> memref<3200xf32, #tpu.memory_space<vmem_shared>>
        tpu.wait_dma2 semaphore(%run_scoped3A : memref<!tpu.dma_semaphore, #tpu.memory_space<semaphore_mem>>) src(%dma_wait3A_18 : memref<3200xf32, #tpu.memory_space<vmem_shared>>) dst(%dma_wait3A : memref<3200xf32, #tpu.memory_space<hbm>>)
        tpu.yield
      }) : () -> ()
    } else {
    }
    return
  }
}

#map = affine_map<(d0, d1) -> (0)>
module attributes {stable_mosaic.version = 14 : i64} {
  func.func @_sc_gather_body(%arg0: i32, %arg1: i32, %arg2: memref<61440xf32, #tpu.memory_space<hbm>>, %arg3: memref<51200xf32, #tpu.memory_space<hbm>>, %arg4: memref<1024xi32, #tpu.memory_space<hbm>>, %arg5: memref<1024xi32, #tpu.memory_space<hbm>>, %arg6: memref<2048xi32, #tpu.memory_space<hbm>>, %arg7: memref<2048xi32, #tpu.memory_space<hbm>>, %arg8: memref<1024xf32, #tpu.memory_space<hbm>>, %arg9: memref<1024xf32, #tpu.memory_space<hbm>>, %arg10: memref<2048xf32, #tpu.memory_space<hbm>>, %arg11: memref<2048xf32, #tpu.memory_space<hbm>>, %arg12: memref<32xi32, #tpu.memory_space<vmem>>, %arg13: memref<32xf32, #tpu.memory_space<vmem>>, %arg14: memref<64xi32, #tpu.memory_space<vmem>>, %arg15: memref<64xi32, #tpu.memory_space<vmem>>, %arg16: memref<64xf32, #tpu.memory_space<vmem>>, %arg17: memref<!tpu.dma_semaphore, #tpu.memory_space<semaphore_mem>>) attributes {dimension_semantics = [#tpu.dimension_semantics<core_parallel>, #tpu.dimension_semantics<subcore_parallel>], iteration_bounds = array<i64: 2, 16>, scalar_prefetch = 0 : i64, scratch_operands = 6 : i64, tpu.core_type = #tpu.core_type<sc_vector_subcore>, window_params = [{transform_indices = #map}, {transform_indices = #map}, {transform_indices = #map}, {transform_indices = #map}, {transform_indices = #map}, {transform_indices = #map}, {transform_indices = #map}, {transform_indices = #map}, {transform_indices = #map}, {transform_indices = #map}]} {
    %mul3A = arith.constant 2 : i32
    %mul3A_0 = arith.muli %arg1, %mul3A : i32
    %add3A = arith.addi %mul3A_0, %arg0 : i32
    %mul3A_1 = arith.constant 32 : i32
    %mul3A_2 = arith.muli %add3A, %mul3A_1 : i32
    "tpu.region"() ({
      %run_scoped3A = tpu.sem_alloc : memref<!tpu.dma_semaphore, #tpu.memory_space<semaphore_mem>>
      %dma_start3A_39 = tpu.memref_slice %arg4[%mul3A_2] : memref<1024xi32, #tpu.memory_space<hbm>> -> memref<32xi32, #tpu.memory_space<hbm>>
      %dma_start3A_40 = tpu.memref_slice %arg4[%mul3A_2] : memref<1024xi32, #tpu.memory_space<hbm>> -> memref<32xi32, #tpu.memory_space<hbm>>
      tpu.enqueue_dma source(%dma_start3A_40 : memref<32xi32, #tpu.memory_space<hbm>>) target(%arg12 : memref<32xi32, #tpu.memory_space<vmem>>) target_semaphore(%run_scoped3A : memref<!tpu.dma_semaphore, #tpu.memory_space<semaphore_mem>>)
      %dma_wait3A_41 = tpu.memref_slice %arg4[%mul3A_2] : memref<1024xi32, #tpu.memory_space<hbm>> -> memref<32xi32, #tpu.memory_space<hbm>>
      %dma_wait3A_42 = tpu.memref_slice %arg4[%mul3A_2] : memref<1024xi32, #tpu.memory_space<hbm>> -> memref<32xi32, #tpu.memory_space<hbm>>
      tpu.wait_dma2 semaphore(%run_scoped3A : memref<!tpu.dma_semaphore, #tpu.memory_space<semaphore_mem>>) src(%dma_wait3A_42 : memref<32xi32, #tpu.memory_space<hbm>>) dst(%arg12 : memref<32xi32, #tpu.memory_space<vmem>>)
      tpu.yield
    }) : () -> ()
    %dma_start3A = arith.constant 0 : i32
    %dma_start3A_3 = tpu.memref_slice %arg2[%dma_start3A] : memref<61440xf32, #tpu.memory_space<hbm>> -> memref<61440xf32, #tpu.memory_space<hbm>>
    tpu.enqueue_indirect_dma source(%dma_start3A_3 : memref<61440xf32, #tpu.memory_space<hbm>>) target(%arg13 : memref<32xf32, #tpu.memory_space<vmem>>) offsets(%arg12 : memref<32xi32, #tpu.memory_space<vmem>>) semaphore(%arg17 : memref<!tpu.dma_semaphore, #tpu.memory_space<semaphore_mem>>)
    %dma_wait3A = arith.constant 0 : i32
    %dma_wait3A_4 = tpu.memref_slice %arg2[%dma_wait3A] : memref<61440xf32, #tpu.memory_space<hbm>> -> memref<61440xf32, #tpu.memory_space<hbm>>
    tpu.wait_indirect_dma semaphore(%arg17 : memref<!tpu.dma_semaphore, #tpu.memory_space<semaphore_mem>>) src(%dma_wait3A_4 : memref<61440xf32, #tpu.memory_space<hbm>>) dst(%arg13 : memref<32xf32, #tpu.memory_space<vmem>>)
    %mul3A_5 = arith.constant 32 : i32
    %mul3A_6 = arith.muli %add3A, %mul3A_5 : i32
    "tpu.region"() ({
      %run_scoped3A = tpu.sem_alloc : memref<!tpu.dma_semaphore, #tpu.memory_space<semaphore_mem>>
      %dma_start3A_39 = tpu.memref_slice %arg8[%mul3A_6] : memref<1024xf32, #tpu.memory_space<hbm>> -> memref<32xf32, #tpu.memory_space<hbm>>
      %dma_start3A_40 = tpu.memref_slice %arg8[%mul3A_6] : memref<1024xf32, #tpu.memory_space<hbm>> -> memref<32xf32, #tpu.memory_space<hbm>>
      tpu.enqueue_dma source(%arg13 : memref<32xf32, #tpu.memory_space<vmem>>) target(%dma_start3A_40 : memref<32xf32, #tpu.memory_space<hbm>>) target_semaphore(%run_scoped3A : memref<!tpu.dma_semaphore, #tpu.memory_space<semaphore_mem>>)
      %dma_wait3A_41 = tpu.memref_slice %arg8[%mul3A_6] : memref<1024xf32, #tpu.memory_space<hbm>> -> memref<32xf32, #tpu.memory_space<hbm>>
      %dma_wait3A_42 = tpu.memref_slice %arg8[%mul3A_6] : memref<1024xf32, #tpu.memory_space<hbm>> -> memref<32xf32, #tpu.memory_space<hbm>>
      tpu.wait_dma2 semaphore(%run_scoped3A : memref<!tpu.dma_semaphore, #tpu.memory_space<semaphore_mem>>) src(%arg13 : memref<32xf32, #tpu.memory_space<vmem>>) dst(%dma_wait3A_42 : memref<32xf32, #tpu.memory_space<hbm>>)
      tpu.yield
    }) : () -> ()
    %mul3A_7 = arith.constant 32 : i32
    %mul3A_8 = arith.muli %add3A, %mul3A_7 : i32
    "tpu.region"() ({
      %run_scoped3A = tpu.sem_alloc : memref<!tpu.dma_semaphore, #tpu.memory_space<semaphore_mem>>
      %dma_start3A_39 = tpu.memref_slice %arg5[%mul3A_8] : memref<1024xi32, #tpu.memory_space<hbm>> -> memref<32xi32, #tpu.memory_space<hbm>>
      %dma_start3A_40 = tpu.memref_slice %arg5[%mul3A_8] : memref<1024xi32, #tpu.memory_space<hbm>> -> memref<32xi32, #tpu.memory_space<hbm>>
      tpu.enqueue_dma source(%dma_start3A_40 : memref<32xi32, #tpu.memory_space<hbm>>) target(%arg12 : memref<32xi32, #tpu.memory_space<vmem>>) target_semaphore(%run_scoped3A : memref<!tpu.dma_semaphore, #tpu.memory_space<semaphore_mem>>)
      %dma_wait3A_41 = tpu.memref_slice %arg5[%mul3A_8] : memref<1024xi32, #tpu.memory_space<hbm>> -> memref<32xi32, #tpu.memory_space<hbm>>
      %dma_wait3A_42 = tpu.memref_slice %arg5[%mul3A_8] : memref<1024xi32, #tpu.memory_space<hbm>> -> memref<32xi32, #tpu.memory_space<hbm>>
      tpu.wait_dma2 semaphore(%run_scoped3A : memref<!tpu.dma_semaphore, #tpu.memory_space<semaphore_mem>>) src(%dma_wait3A_42 : memref<32xi32, #tpu.memory_space<hbm>>) dst(%arg12 : memref<32xi32, #tpu.memory_space<vmem>>)
      tpu.yield
    }) : () -> ()
    %dma_start3A_9 = arith.constant 0 : i32
    %dma_start3A_10 = tpu.memref_slice %arg3[%dma_start3A_9] : memref<51200xf32, #tpu.memory_space<hbm>> -> memref<51200xf32, #tpu.memory_space<hbm>>
    tpu.enqueue_indirect_dma source(%dma_start3A_10 : memref<51200xf32, #tpu.memory_space<hbm>>) target(%arg13 : memref<32xf32, #tpu.memory_space<vmem>>) offsets(%arg12 : memref<32xi32, #tpu.memory_space<vmem>>) semaphore(%arg17 : memref<!tpu.dma_semaphore, #tpu.memory_space<semaphore_mem>>)
    %dma_wait3A_11 = arith.constant 0 : i32
    %dma_wait3A_12 = tpu.memref_slice %arg3[%dma_wait3A_11] : memref<51200xf32, #tpu.memory_space<hbm>> -> memref<51200xf32, #tpu.memory_space<hbm>>
    tpu.wait_indirect_dma semaphore(%arg17 : memref<!tpu.dma_semaphore, #tpu.memory_space<semaphore_mem>>) src(%dma_wait3A_12 : memref<51200xf32, #tpu.memory_space<hbm>>) dst(%arg13 : memref<32xf32, #tpu.memory_space<vmem>>)
    %mul3A_13 = arith.constant 32 : i32
    %mul3A_14 = arith.muli %add3A, %mul3A_13 : i32
    "tpu.region"() ({
      %run_scoped3A = tpu.sem_alloc : memref<!tpu.dma_semaphore, #tpu.memory_space<semaphore_mem>>
      %dma_start3A_39 = tpu.memref_slice %arg9[%mul3A_14] : memref<1024xf32, #tpu.memory_space<hbm>> -> memref<32xf32, #tpu.memory_space<hbm>>
      %dma_start3A_40 = tpu.memref_slice %arg9[%mul3A_14] : memref<1024xf32, #tpu.memory_space<hbm>> -> memref<32xf32, #tpu.memory_space<hbm>>
      tpu.enqueue_dma source(%arg13 : memref<32xf32, #tpu.memory_space<vmem>>) target(%dma_start3A_40 : memref<32xf32, #tpu.memory_space<hbm>>) target_semaphore(%run_scoped3A : memref<!tpu.dma_semaphore, #tpu.memory_space<semaphore_mem>>)
      %dma_wait3A_41 = tpu.memref_slice %arg9[%mul3A_14] : memref<1024xf32, #tpu.memory_space<hbm>> -> memref<32xf32, #tpu.memory_space<hbm>>
      %dma_wait3A_42 = tpu.memref_slice %arg9[%mul3A_14] : memref<1024xf32, #tpu.memory_space<hbm>> -> memref<32xf32, #tpu.memory_space<hbm>>
      tpu.wait_dma2 semaphore(%run_scoped3A : memref<!tpu.dma_semaphore, #tpu.memory_space<semaphore_mem>>) src(%arg13 : memref<32xf32, #tpu.memory_space<vmem>>) dst(%dma_wait3A_42 : memref<32xf32, #tpu.memory_space<hbm>>)
      tpu.yield
    }) : () -> ()
    %mul3A_15 = arith.constant 64 : i32
    %mul3A_16 = arith.muli %add3A, %mul3A_15 : i32
    "tpu.region"() ({
      %run_scoped3A = tpu.sem_alloc : memref<!tpu.dma_semaphore, #tpu.memory_space<semaphore_mem>>
      %dma_start3A_39 = tpu.memref_slice %arg6[%mul3A_16] : memref<2048xi32, #tpu.memory_space<hbm>> -> memref<64xi32, #tpu.memory_space<hbm>>
      %dma_start3A_40 = tpu.memref_slice %arg6[%mul3A_16] : memref<2048xi32, #tpu.memory_space<hbm>> -> memref<64xi32, #tpu.memory_space<hbm>>
      tpu.enqueue_dma source(%dma_start3A_40 : memref<64xi32, #tpu.memory_space<hbm>>) target(%arg14 : memref<64xi32, #tpu.memory_space<vmem>>) target_semaphore(%run_scoped3A : memref<!tpu.dma_semaphore, #tpu.memory_space<semaphore_mem>>)
      %dma_wait3A_41 = tpu.memref_slice %arg6[%mul3A_16] : memref<2048xi32, #tpu.memory_space<hbm>> -> memref<64xi32, #tpu.memory_space<hbm>>
      %dma_wait3A_42 = tpu.memref_slice %arg6[%mul3A_16] : memref<2048xi32, #tpu.memory_space<hbm>> -> memref<64xi32, #tpu.memory_space<hbm>>
      tpu.wait_dma2 semaphore(%run_scoped3A : memref<!tpu.dma_semaphore, #tpu.memory_space<semaphore_mem>>) src(%dma_wait3A_42 : memref<64xi32, #tpu.memory_space<hbm>>) dst(%arg14 : memref<64xi32, #tpu.memory_space<vmem>>)
      tpu.yield
    }) : () -> ()
    %dma_start3A_17 = arith.constant 0 : i32
    %dma_start3A_18 = tpu.memref_slice %arg5[%dma_start3A_17] : memref<1024xi32, #tpu.memory_space<hbm>> -> memref<1024xi32, #tpu.memory_space<hbm>>
    tpu.enqueue_indirect_dma source(%dma_start3A_18 : memref<1024xi32, #tpu.memory_space<hbm>>) target(%arg15 : memref<64xi32, #tpu.memory_space<vmem>>) offsets(%arg14 : memref<64xi32, #tpu.memory_space<vmem>>) semaphore(%arg17 : memref<!tpu.dma_semaphore, #tpu.memory_space<semaphore_mem>>)
    %dma_wait3A_19 = arith.constant 0 : i32
    %dma_wait3A_20 = tpu.memref_slice %arg5[%dma_wait3A_19] : memref<1024xi32, #tpu.memory_space<hbm>> -> memref<1024xi32, #tpu.memory_space<hbm>>
    tpu.wait_indirect_dma semaphore(%arg17 : memref<!tpu.dma_semaphore, #tpu.memory_space<semaphore_mem>>) src(%dma_wait3A_20 : memref<1024xi32, #tpu.memory_space<hbm>>) dst(%arg15 : memref<64xi32, #tpu.memory_space<vmem>>)
    %dma_start3A_21 = arith.constant 0 : i32
    %dma_start3A_22 = tpu.memref_slice %arg3[%dma_start3A_21] : memref<51200xf32, #tpu.memory_space<hbm>> -> memref<51200xf32, #tpu.memory_space<hbm>>
    tpu.enqueue_indirect_dma source(%dma_start3A_22 : memref<51200xf32, #tpu.memory_space<hbm>>) target(%arg16 : memref<64xf32, #tpu.memory_space<vmem>>) offsets(%arg15 : memref<64xi32, #tpu.memory_space<vmem>>) semaphore(%arg17 : memref<!tpu.dma_semaphore, #tpu.memory_space<semaphore_mem>>)
    %dma_wait3A_23 = arith.constant 0 : i32
    %dma_wait3A_24 = tpu.memref_slice %arg3[%dma_wait3A_23] : memref<51200xf32, #tpu.memory_space<hbm>> -> memref<51200xf32, #tpu.memory_space<hbm>>
    tpu.wait_indirect_dma semaphore(%arg17 : memref<!tpu.dma_semaphore, #tpu.memory_space<semaphore_mem>>) src(%dma_wait3A_24 : memref<51200xf32, #tpu.memory_space<hbm>>) dst(%arg16 : memref<64xf32, #tpu.memory_space<vmem>>)
    %mul3A_25 = arith.constant 64 : i32
    %mul3A_26 = arith.muli %add3A, %mul3A_25 : i32
    "tpu.region"() ({
      %run_scoped3A = tpu.sem_alloc : memref<!tpu.dma_semaphore, #tpu.memory_space<semaphore_mem>>
      %dma_start3A_39 = tpu.memref_slice %arg10[%mul3A_26] : memref<2048xf32, #tpu.memory_space<hbm>> -> memref<64xf32, #tpu.memory_space<hbm>>
      %dma_start3A_40 = tpu.memref_slice %arg10[%mul3A_26] : memref<2048xf32, #tpu.memory_space<hbm>> -> memref<64xf32, #tpu.memory_space<hbm>>
      tpu.enqueue_dma source(%arg16 : memref<64xf32, #tpu.memory_space<vmem>>) target(%dma_start3A_40 : memref<64xf32, #tpu.memory_space<hbm>>) target_semaphore(%run_scoped3A : memref<!tpu.dma_semaphore, #tpu.memory_space<semaphore_mem>>)
      %dma_wait3A_41 = tpu.memref_slice %arg10[%mul3A_26] : memref<2048xf32, #tpu.memory_space<hbm>> -> memref<64xf32, #tpu.memory_space<hbm>>
      %dma_wait3A_42 = tpu.memref_slice %arg10[%mul3A_26] : memref<2048xf32, #tpu.memory_space<hbm>> -> memref<64xf32, #tpu.memory_space<hbm>>
      tpu.wait_dma2 semaphore(%run_scoped3A : memref<!tpu.dma_semaphore, #tpu.memory_space<semaphore_mem>>) src(%arg16 : memref<64xf32, #tpu.memory_space<vmem>>) dst(%dma_wait3A_42 : memref<64xf32, #tpu.memory_space<hbm>>)
      tpu.yield
    }) : () -> ()
    %mul3A_27 = arith.constant 64 : i32
    %mul3A_28 = arith.muli %add3A, %mul3A_27 : i32
    "tpu.region"() ({
      %run_scoped3A = tpu.sem_alloc : memref<!tpu.dma_semaphore, #tpu.memory_space<semaphore_mem>>
      %dma_start3A_39 = tpu.memref_slice %arg7[%mul3A_28] : memref<2048xi32, #tpu.memory_space<hbm>> -> memref<64xi32, #tpu.memory_space<hbm>>
      %dma_start3A_40 = tpu.memref_slice %arg7[%mul3A_28] : memref<2048xi32, #tpu.memory_space<hbm>> -> memref<64xi32, #tpu.memory_space<hbm>>
      tpu.enqueue_dma source(%dma_start3A_40 : memref<64xi32, #tpu.memory_space<hbm>>) target(%arg14 : memref<64xi32, #tpu.memory_space<vmem>>) target_semaphore(%run_scoped3A : memref<!tpu.dma_semaphore, #tpu.memory_space<semaphore_mem>>)
      %dma_wait3A_41 = tpu.memref_slice %arg7[%mul3A_28] : memref<2048xi32, #tpu.memory_space<hbm>> -> memref<64xi32, #tpu.memory_space<hbm>>
      %dma_wait3A_42 = tpu.memref_slice %arg7[%mul3A_28] : memref<2048xi32, #tpu.memory_space<hbm>> -> memref<64xi32, #tpu.memory_space<hbm>>
      tpu.wait_dma2 semaphore(%run_scoped3A : memref<!tpu.dma_semaphore, #tpu.memory_space<semaphore_mem>>) src(%dma_wait3A_42 : memref<64xi32, #tpu.memory_space<hbm>>) dst(%arg14 : memref<64xi32, #tpu.memory_space<vmem>>)
      tpu.yield
    }) : () -> ()
    %dma_start3A_29 = arith.constant 0 : i32
    %dma_start3A_30 = tpu.memref_slice %arg4[%dma_start3A_29] : memref<1024xi32, #tpu.memory_space<hbm>> -> memref<1024xi32, #tpu.memory_space<hbm>>
    tpu.enqueue_indirect_dma source(%dma_start3A_30 : memref<1024xi32, #tpu.memory_space<hbm>>) target(%arg15 : memref<64xi32, #tpu.memory_space<vmem>>) offsets(%arg14 : memref<64xi32, #tpu.memory_space<vmem>>) semaphore(%arg17 : memref<!tpu.dma_semaphore, #tpu.memory_space<semaphore_mem>>)
    %dma_wait3A_31 = arith.constant 0 : i32
    %dma_wait3A_32 = tpu.memref_slice %arg4[%dma_wait3A_31] : memref<1024xi32, #tpu.memory_space<hbm>> -> memref<1024xi32, #tpu.memory_space<hbm>>
    tpu.wait_indirect_dma semaphore(%arg17 : memref<!tpu.dma_semaphore, #tpu.memory_space<semaphore_mem>>) src(%dma_wait3A_32 : memref<1024xi32, #tpu.memory_space<hbm>>) dst(%arg15 : memref<64xi32, #tpu.memory_space<vmem>>)
    %dma_start3A_33 = arith.constant 0 : i32
    %dma_start3A_34 = tpu.memref_slice %arg2[%dma_start3A_33] : memref<61440xf32, #tpu.memory_space<hbm>> -> memref<61440xf32, #tpu.memory_space<hbm>>
    tpu.enqueue_indirect_dma source(%dma_start3A_34 : memref<61440xf32, #tpu.memory_space<hbm>>) target(%arg16 : memref<64xf32, #tpu.memory_space<vmem>>) offsets(%arg15 : memref<64xi32, #tpu.memory_space<vmem>>) semaphore(%arg17 : memref<!tpu.dma_semaphore, #tpu.memory_space<semaphore_mem>>)
    %dma_wait3A_35 = arith.constant 0 : i32
    %dma_wait3A_36 = tpu.memref_slice %arg2[%dma_wait3A_35] : memref<61440xf32, #tpu.memory_space<hbm>> -> memref<61440xf32, #tpu.memory_space<hbm>>
    tpu.wait_indirect_dma semaphore(%arg17 : memref<!tpu.dma_semaphore, #tpu.memory_space<semaphore_mem>>) src(%dma_wait3A_36 : memref<61440xf32, #tpu.memory_space<hbm>>) dst(%arg16 : memref<64xf32, #tpu.memory_space<vmem>>)
    %mul3A_37 = arith.constant 64 : i32
    %mul3A_38 = arith.muli %add3A, %mul3A_37 : i32
    "tpu.region"() ({
      %run_scoped3A = tpu.sem_alloc : memref<!tpu.dma_semaphore, #tpu.memory_space<semaphore_mem>>
      %dma_start3A_39 = tpu.memref_slice %arg11[%mul3A_38] : memref<2048xf32, #tpu.memory_space<hbm>> -> memref<64xf32, #tpu.memory_space<hbm>>
      %dma_start3A_40 = tpu.memref_slice %arg11[%mul3A_38] : memref<2048xf32, #tpu.memory_space<hbm>> -> memref<64xf32, #tpu.memory_space<hbm>>
      tpu.enqueue_dma source(%arg16 : memref<64xf32, #tpu.memory_space<vmem>>) target(%dma_start3A_40 : memref<64xf32, #tpu.memory_space<hbm>>) target_semaphore(%run_scoped3A : memref<!tpu.dma_semaphore, #tpu.memory_space<semaphore_mem>>)
      %dma_wait3A_41 = tpu.memref_slice %arg11[%mul3A_38] : memref<2048xf32, #tpu.memory_space<hbm>> -> memref<64xf32, #tpu.memory_space<hbm>>
      %dma_wait3A_42 = tpu.memref_slice %arg11[%mul3A_38] : memref<2048xf32, #tpu.memory_space<hbm>> -> memref<64xf32, #tpu.memory_space<hbm>>
      tpu.wait_dma2 semaphore(%run_scoped3A : memref<!tpu.dma_semaphore, #tpu.memory_space<semaphore_mem>>) src(%arg16 : memref<64xf32, #tpu.memory_space<vmem>>) dst(%dma_wait3A_42 : memref<64xf32, #tpu.memory_space<hbm>>)
      tpu.yield
    }) : () -> ()
    return
  }
}

module attributes {stable_mosaic.version = 14 : i64} {
  func.func @_nn_body(%arg0: i32, %arg1: memref<1x1024x8xf32, #tpu.memory_space<vmem>>, %arg2: memref<1x1024x1xf32, #tpu.memory_space<vmem>>, %arg3: memref<8x2048xf32, #tpu.memory_space<vmem>>, %arg4: memref<1x2048xf32, #tpu.memory_space<vmem>>, %arg5: memref<1024x1xi32, #tpu.memory_space<vmem>>, %arg6: memref<1024x1xi32, #tpu.memory_space<vmem>>, %arg7: memref<1024x2048xf32, #tpu.memory_space<vmem>>, %arg8: memref<1024x2048xi32, #tpu.memory_space<vmem>>) attributes {dimension_semantics = [#tpu.dimension_semantics<arbitrary>], iteration_bounds = array<i64: 55>, scalar_prefetch = 0 : i64, scratch_operands = 2 : i64, tpu.core_type = #tpu.core_type<tc>, window_params = [{transform_indices = @transform_0, window_bounds = array<i64: 1, 1024, 8>}, {transform_indices = @transform_1, window_bounds = array<i64: 1, 1024, 1>}, {transform_indices = @transform_2, window_bounds = array<i64: 8, 2048>}, {transform_indices = @transform_3, window_bounds = array<i64: 1, 2048>}, {pipeline_mode = #tpu.pipeline_mode<synchronous>, transform_indices = @transform_4, window_bounds = array<i64: 1024, 1>}, {pipeline_mode = #tpu.pipeline_mode<synchronous>, transform_indices = @transform_5, window_bounds = array<i64: 1024, 1>}]} {
    %eq3A = arith.constant 0 : i32
    %eq3A_0 = arith.cmpi eq, %arg0, %eq3A : i32
    %eq3A_1 = arith.constant 30 : i32
    %eq3A_2 = arith.cmpi eq, %arg0, %eq3A_1 : i32
    %or3A = arith.ori %eq3A_0, %eq3A_2 : i1
    %convert_element_type3A = arith.extui %or3A : i1 to i32
    %cond3A = arith.constant 0 : i32
    %cond3A_3 = arith.cmpi ne, %convert_element_type3A, %cond3A : i32
    scf.if %cond3A_3 {
      %broadcast_in_dim3A_43 = arith.constant 0x7F800000 : f32
      %broadcast_in_dim3A_44 = vector.broadcast %broadcast_in_dim3A_43 : f32 to vector<1024x2048xf32>
      %swap3A_45 = arith.constant 0 : index
      %swap3A_46 = arith.constant 0 : index
      %swap3A_47 = vector.load %arg7[%swap3A_45, %swap3A_46] : memref<1024x2048xf32, #tpu.memory_space<vmem>>, vector<1024x2048xf32>
      tpu.vector_store %arg7[%swap3A_45, %swap3A_46], %broadcast_in_dim3A_44 {strides = array<i32>} : memref<1024x2048xf32, #tpu.memory_space<vmem>>, vector<1024x2048xf32>,
      %broadcast_in_dim3A_48 = arith.constant 0 : i32
      %broadcast_in_dim3A_49 = vector.broadcast %broadcast_in_dim3A_48 : i32 to vector<1024x2048xi32>
      %swap3A_50 = arith.constant 0 : index
      %swap3A_51 = arith.constant 0 : index
      %swap3A_52 = vector.load %arg8[%swap3A_50, %swap3A_51] : memref<1024x2048xi32, #tpu.memory_space<vmem>>, vector<1024x2048xi32>
      tpu.vector_store %arg8[%swap3A_50, %swap3A_51], %broadcast_in_dim3A_49 {strides = array<i32>} : memref<1024x2048xi32, #tpu.memory_space<vmem>>, vector<1024x2048xi32>,
    } else {
    }
    %get3A = arith.constant 0 : index
    %get3A_4 = arith.constant 0 : index
    %get3A_5 = arith.constant 0 : index
    %get3A_6 = vector.load %arg1[%get3A, %get3A_4, %get3A_5] : memref<1x1024x8xf32, #tpu.memory_space<vmem>>, vector<1x1024x8xf32>
    %get3A_7 = vector.shape_cast %get3A_6 : vector<1x1024x8xf32> to vector<1024x8xf32>
    %get3A_8 = arith.constant 0 : index
    %get3A_9 = arith.constant 0 : index
    %get3A_10 = vector.load %arg3[%get3A_8, %get3A_9] : memref<8x2048xf32, #tpu.memory_space<vmem>>, vector<8x2048xf32>
    %dot_general3A = arith.constant dense<0.000000e+00> : vector<1024x2048xf32>
    %dot_general3A_11 = tpu.matmul %get3A_7, %get3A_10, %dot_general3A {dimension_numbers = #tpu.dot_dimension_numbers<[1], [0], [0], [1], [0, 0, 1, 1], [], []>, transpose_lhs_hint = false} : vector<1024x8xf32>, vector<8x2048xf32>, vector<1024x2048xf32> -> vector<1024x2048xf32>
    %get3A_12 = arith.constant 0 : index
    %get3A_13 = arith.constant 0 : index
    %get3A_14 = arith.constant 0 : index
    %get3A_15 = vector.load %arg2[%get3A_12, %get3A_13, %get3A_14] : memref<1x1024x1xf32, #tpu.memory_space<vmem>>, vector<1x1024x1xf32>
    %get3A_16 = vector.shape_cast %get3A_15 : vector<1x1024x1xf32> to vector<1024x1xf32>
    %get3A_17 = arith.constant 0 : index
    %get3A_18 = arith.constant 0 : index
    %get3A_19 = vector.load %arg4[%get3A_17, %get3A_18] : memref<1x2048xf32, #tpu.memory_space<vmem>>, vector<1x2048xf32>
    %add3A = vector.broadcast %get3A_16 : vector<1024x1xf32> to vector<1024x2048xf32>
    %add3A_20 = vector.broadcast %get3A_19 : vector<1x2048xf32> to vector<1024x2048xf32>
    %add3A_21 = arith.addf %add3A, %add3A_20 : vector<1024x2048xf32>
    %sub3A = arith.subf %add3A_21, %dot_general3A_11 : vector<1024x2048xf32>
    %get3A_22 = arith.constant 0 : index
    %get3A_23 = arith.constant 0 : index
    %get3A_24 = vector.load %arg7[%get3A_22, %get3A_23] : memref<1024x2048xf32, #tpu.memory_space<vmem>>, vector<1024x2048xf32>
    %lt3A = arith.cmpf olt, %sub3A, %get3A_24 : vector<1024x2048xf32>
    %min3A = arith.minimumf %sub3A, %get3A_24 : vector<1024x2048xf32>
    %swap3A = arith.constant 0 : index
    %swap3A_25 = arith.constant 0 : index
    %swap3A_26 = vector.load %arg7[%swap3A, %swap3A_25] : memref<1024x2048xf32, #tpu.memory_space<vmem>>, vector<1024x2048xf32>
    tpu.vector_store %arg7[%swap3A, %swap3A_25], %min3A {strides = array<i32>} : memref<1024x2048xf32, #tpu.memory_space<vmem>>, vector<1024x2048xf32>,
    %get3A_27 = arith.constant 0 : index
    %get3A_28 = arith.constant 0 : index
    %get3A_29 = vector.load %arg8[%get3A_27, %get3A_28] : memref<1024x2048xi32, #tpu.memory_space<vmem>>, vector<1024x2048xi32>
    %broadcast_in_dim3A = vector.broadcast %arg0 : i32 to vector<1024x2048xi32>
    %select_n3A = arith.select %lt3A, %broadcast_in_dim3A, %get3A_29 : vector<1024x2048xi1>, vector<1024x2048xi32>
    %swap3A_30 = arith.constant 0 : index
    %swap3A_31 = arith.constant 0 : index
    %swap3A_32 = vector.load %arg8[%swap3A_30, %swap3A_31] : memref<1024x2048xi32, #tpu.memory_space<vmem>>, vector<1024x2048xi32>
    tpu.vector_store %arg8[%swap3A_30, %swap3A_31], %select_n3A {strides = array<i32>} : memref<1024x2048xi32, #tpu.memory_space<vmem>>, vector<1024x2048xi32>,
    %eq3A_33 = arith.constant 29 : i32
    %eq3A_34 = arith.cmpi eq, %arg0, %eq3A_33 : i32
    %convert_element_type3A_35 = arith.extui %eq3A_34 : i1 to i32
    %cond3A_36 = arith.constant 0 : i32
    %cond3A_37 = arith.cmpi ne, %convert_element_type3A_35, %cond3A_36 : i32
    scf.if %cond3A_37 {
      %get3A_43 = arith.constant 0 : index
      %get3A_44 = arith.constant 0 : index
      %get3A_45 = vector.load %arg7[%get3A_43, %get3A_44] : memref<1024x2048xf32, #tpu.memory_space<vmem>>, vector<1024x2048xf32>
      %iota3A = tpu.iota {dimensions = array<i32: 1>} : vector<1024x2048xi32>
      %get3A_46 = arith.constant 0 : index
      %get3A_47 = arith.constant 0 : index
      %get3A_48 = vector.load %arg8[%get3A_46, %get3A_47] : memref<1024x2048xi32, #tpu.memory_space<vmem>>, vector<1024x2048xi32>
      %sub3A_49 = arith.constant 0 : i32
      %sub3A_50 = vector.broadcast %sub3A_49 : i32 to vector<1024x2048xi32>
      %sub3A_51 = arith.subi %get3A_48, %sub3A_50 : vector<1024x2048xi32>
      %mul3A = arith.constant 2048 : i32
      %mul3A_52 = vector.broadcast %mul3A : i32 to vector<1024x2048xi32>
      %mul3A_53 = arith.muli %sub3A_51, %mul3A_52 : vector<1024x2048xi32>
      %add3A_54 = arith.addi %mul3A_53, %iota3A : vector<1024x2048xi32>
      %reduce_min3A = arith.constant dense<0x7F800000> : vector<1024xf32>
      %reduce_min3A_55 = vector.multi_reduction <minimumf>, %get3A_45, %reduce_min3A [1] : vector<1024x2048xf32> to vector<1024xf32>
      %broadcast_in_dim3A_56 = vector.shape_cast %reduce_min3A_55 : vector<1024xf32> to vector<1024x1xf32>
      %eq3A_57 = vector.broadcast %broadcast_in_dim3A_56 : vector<1024x1xf32> to vector<1024x2048xf32>
      %eq3A_58 = arith.cmpf oeq, %get3A_45, %eq3A_57 : vector<1024x2048xf32>
      %jit3A = arith.constant 1073741824 : i32
      %broadcast_in_dim3A_59 = vector.broadcast %jit3A : i32 to vector<1024x2048xi32>
      %select_n3A_60 = arith.select %eq3A_58, %add3A_54, %broadcast_in_dim3A_59 : vector<1024x2048xi1>, vector<1024x2048xi32>
      %reduce_min3A_61 = arith.constant dense<2147483647> : vector<1024xi32>
      %reduce_min3A_62 = vector.multi_reduction <minsi>, %select_n3A_60, %reduce_min3A_61 [1] : vector<1024x2048xi32> to vector<1024xi32>
      %broadcast_in_dim3A_63 = vector.shape_cast %reduce_min3A_62 : vector<1024xi32> to vector<1024x1xi32>
      %swap3A_64 = arith.constant 0 : index
      %swap3A_65 = arith.constant 0 : index
      %swap3A_66 = vector.load %arg5[%swap3A_64, %swap3A_65] : memref<1024x1xi32, #tpu.memory_space<vmem>>, vector<1024x1xi32>
      tpu.vector_store %arg5[%swap3A_64, %swap3A_65], %broadcast_in_dim3A_63 {strides = array<i32>} : memref<1024x1xi32, #tpu.memory_space<vmem>>, vector<1024x1xi32>,
    } else {
    }
    %eq3A_38 = arith.constant 54 : i32
    %eq3A_39 = arith.cmpi eq, %arg0, %eq3A_38 : i32
    %convert_element_type3A_40 = arith.extui %eq3A_39 : i1 to i32
    %cond3A_41 = arith.constant 0 : i32
    %cond3A_42 = arith.cmpi ne, %convert_element_type3A_40, %cond3A_41 : i32
    scf.if %cond3A_42 {
      %get3A_43 = arith.constant 0 : index
      %get3A_44 = arith.constant 0 : index
      %get3A_45 = vector.load %arg7[%get3A_43, %get3A_44] : memref<1024x2048xf32, #tpu.memory_space<vmem>>, vector<1024x2048xf32>
      %iota3A = tpu.iota {dimensions = array<i32: 1>} : vector<1024x2048xi32>
      %get3A_46 = arith.constant 0 : index
      %get3A_47 = arith.constant 0 : index
      %get3A_48 = vector.load %arg8[%get3A_46, %get3A_47] : memref<1024x2048xi32, #tpu.memory_space<vmem>>, vector<1024x2048xi32>
      %sub3A_49 = arith.constant 30 : i32
      %sub3A_50 = vector.broadcast %sub3A_49 : i32 to vector<1024x2048xi32>
      %sub3A_51 = arith.subi %get3A_48, %sub3A_50 : vector<1024x2048xi32>
      %mul3A = arith.constant 2048 : i32
      %mul3A_52 = vector.broadcast %mul3A : i32 to vector<1024x2048xi32>
      %mul3A_53 = arith.muli %sub3A_51, %mul3A_52 : vector<1024x2048xi32>
      %add3A_54 = arith.addi %mul3A_53, %iota3A : vector<1024x2048xi32>
      %reduce_min3A = arith.constant dense<0x7F800000> : vector<1024xf32>
      %reduce_min3A_55 = vector.multi_reduction <minimumf>, %get3A_45, %reduce_min3A [1] : vector<1024x2048xf32> to vector<1024xf32>
      %broadcast_in_dim3A_56 = vector.shape_cast %reduce_min3A_55 : vector<1024xf32> to vector<1024x1xf32>
      %eq3A_57 = vector.broadcast %broadcast_in_dim3A_56 : vector<1024x1xf32> to vector<1024x2048xf32>
      %eq3A_58 = arith.cmpf oeq, %get3A_45, %eq3A_57 : vector<1024x2048xf32>
      %jit3A = arith.constant 1073741824 : i32
      %broadcast_in_dim3A_59 = vector.broadcast %jit3A : i32 to vector<1024x2048xi32>
      %select_n3A_60 = arith.select %eq3A_58, %add3A_54, %broadcast_in_dim3A_59 : vector<1024x2048xi1>, vector<1024x2048xi32>
      %reduce_min3A_61 = arith.constant dense<2147483647> : vector<1024xi32>
      %reduce_min3A_62 = vector.multi_reduction <minsi>, %select_n3A_60, %reduce_min3A_61 [1] : vector<1024x2048xi32> to vector<1024xi32>
      %broadcast_in_dim3A_63 = vector.shape_cast %reduce_min3A_62 : vector<1024xi32> to vector<1024x1xi32>
      %swap3A_64 = arith.constant 0 : index
      %swap3A_65 = arith.constant 0 : index
      %swap3A_66 = vector.load %arg6[%swap3A_64, %swap3A_65] : memref<1024x1xi32, #tpu.memory_space<vmem>>, vector<1024x1xi32>
      tpu.vector_store %arg6[%swap3A_64, %swap3A_65], %broadcast_in_dim3A_63 {strides = array<i32>} : memref<1024x1xi32, #tpu.memory_space<vmem>>, vector<1024x1xi32>,
    } else {
    }
    return
  }
  func.func @transform_0(%arg0: i32) -> (i32, i32, i32) {
    %lt3A = arith.constant 30 : i32
    %lt3A_0 = arith.cmpi slt, %arg0, %lt3A : i32
    %jit3A = arith.constant 0 : i32
    %jit3A_1 = arith.constant 1 : i32
    %select_n3A = arith.select %lt3A_0, %jit3A, %jit3A_1 : i32
    %c0_i32 = arith.constant 0 : i32
    %c0_i32_2 = arith.constant 0 : i32
    %c0_i32_3 = arith.constant 0 : i32
    return %select_n3A, %c0_i32, %c0_i32_2 : i32, i32, i32
  }
  func.func @transform_1(%arg0: i32) -> (i32, i32, i32) {
    %lt3A = arith.constant 30 : i32
    %lt3A_0 = arith.cmpi slt, %arg0, %lt3A : i32
    %jit3A = arith.constant 0 : i32
    %jit3A_1 = arith.constant 1 : i32
    %select_n3A = arith.select %lt3A_0, %jit3A, %jit3A_1 : i32
    %c0_i32 = arith.constant 0 : i32
    %c0_i32_2 = arith.constant 0 : i32
    %c0_i32_3 = arith.constant 0 : i32
    return %select_n3A, %c0_i32, %c0_i32_2 : i32, i32, i32
  }
  func.func @transform_2(%arg0: i32) -> (i32, i32) {
    %c0_i32 = arith.constant 0 : i32
    %c0_i32_0 = arith.constant 0 : i32
    return %c0_i32, %arg0 : i32, i32
  }
  func.func @transform_3(%arg0: i32) -> (i32, i32) {
    %c0_i32 = arith.constant 0 : i32
    %c0_i32_0 = arith.constant 0 : i32
    return %c0_i32, %arg0 : i32, i32
  }
  func.func @transform_4(%arg0: i32) -> (i32, i32) {
    %c0_i32 = arith.constant 0 : i32
    %c0_i32_0 = arith.constant 0 : i32
    %c0_i32_1 = arith.constant 0 : i32
    return %c0_i32, %c0_i32_0 : i32, i32
  }
  func.func @transform_5(%arg0: i32) -> (i32, i32) {
    %c0_i32 = arith.constant 0 : i32
    %c0_i32_0 = arith.constant 0 : i32
    %c0_i32_1 = arith.constant 0 : i32
    return %c0_i32, %c0_i32_0 : i32, i32
  }
}

module attributes {stable_mosaic.version = 14 : i64} {
  func.func @_pairs_body(%arg0: memref<1x1024xf32, #tpu.memory_space<vmem>>, %arg1: memref<1x1024xf32, #tpu.memory_space<vmem>>, %arg2: memref<2048x1xf32, #tpu.memory_space<vmem>>, %arg3: memref<1x2048xf32, #tpu.memory_space<vmem>>, %arg4: memref<512x1xi32, #tpu.memory_space<vmem>>, %arg5: memref<1x512xi32, #tpu.memory_space<vmem>>, %arg6: memref<512x1xi32, #tpu.memory_space<vmem>>, %arg7: memref<1x512xi32, #tpu.memory_space<vmem>>, %arg8: memref<2048x1xi32, #tpu.memory_space<vmem>>, %arg9: memref<1x2048xi32, #tpu.memory_space<vmem>>, %arg10: memref<2048x1xi32, #tpu.memory_space<vmem>>, %arg11: memref<1x2048xi32, #tpu.memory_space<vmem>>, %arg12: memref<2048x1xf32, #tpu.memory_space<vmem>>, %arg13: memref<1x2048xf32, #tpu.memory_space<vmem>>, %arg14: memref<1x1xf32, #tpu.memory_space<smem>>, %arg15: memref<1x1xf32, #tpu.memory_space<smem>>, %arg16: memref<1x1xf32, #tpu.memory_space<smem>>, %arg17: memref<1x2048xf32, #tpu.memory_space<vmem>>) attributes {dimension_semantics = [], scalar_prefetch = 0 : i64, scratch_operands = 0 : i64, tpu.core_type = #tpu.core_type<tc>} {
    %get3A = arith.constant 0 : index
    %get3A_0 = arith.constant 0 : index
    %get3A_1 = vector.load %arg4[%get3A, %get3A_0] : memref<512x1xi32, #tpu.memory_space<vmem>>, vector<512x1xi32>
    %mul3A = arith.constant 1024 : i32
    %mul3A_2 = vector.broadcast %mul3A : i32 to vector<512x1xi32>
    %mul3A_3 = arith.muli %get3A_1, %mul3A_2 : vector<512x1xi32>
    %get3A_4 = arith.constant 0 : index
    %get3A_5 = arith.constant 0 : index
    %get3A_6 = vector.load %arg6[%get3A_4, %get3A_5] : memref<512x1xi32, #tpu.memory_space<vmem>>, vector<512x1xi32>
    %add3A = arith.addi %mul3A_3, %get3A_6 : vector<512x1xi32>
    %get3A_7 = arith.constant 0 : index
    %get3A_8 = arith.constant 0 : index
    %get3A_9 = vector.load %arg5[%get3A_7, %get3A_8] : memref<1x512xi32, #tpu.memory_space<vmem>>, vector<1x512xi32>
    %mul3A_10 = arith.constant 1024 : i32
    %mul3A_11 = vector.broadcast %mul3A_10 : i32 to vector<1x512xi32>
    %mul3A_12 = arith.muli %get3A_9, %mul3A_11 : vector<1x512xi32>
    %get3A_13 = arith.constant 0 : index
    %get3A_14 = arith.constant 0 : index
    %get3A_15 = vector.load %arg7[%get3A_13, %get3A_14] : memref<1x512xi32, #tpu.memory_space<vmem>>, vector<1x512xi32>
    %add3A_16 = arith.addi %mul3A_12, %get3A_15 : vector<1x512xi32>
    %eq3A = vector.broadcast %add3A : vector<512x1xi32> to vector<512x512xi32>
    %eq3A_17 = vector.broadcast %add3A_16 : vector<1x512xi32> to vector<512x512xi32>
    %eq3A_18 = arith.cmpi eq, %eq3A, %eq3A_17 : vector<512x512xi32>
    %iota3A = tpu.iota {dimensions = array<i32: 0>} : vector<512x512xi32>
    %iota3A_19 = tpu.iota {dimensions = array<i32: 1>} : vector<512x512xi32>
    %lt3A = arith.cmpi slt, %iota3A_19, %iota3A : vector<512x512xi32>
    %and3A = arith.andi %eq3A_18, %lt3A : vector<512x512xi1>
    %reduce_or3A = arith.constant 1.000000e+00 : f32
    %reduce_or3A_20 = arith.constant 0.000000e+00 : f32
    %reduce_or3A_21 = vector.broadcast %reduce_or3A : f32 to vector<512x512xf32>
    %reduce_or3A_22 = vector.broadcast %reduce_or3A_20 : f32 to vector<512x512xf32>
    %reduce_or3A_23 = arith.select %and3A, %reduce_or3A_21, %reduce_or3A_22 : vector<512x512xi1>, vector<512x512xf32>
    %reduce_or3A_24 = arith.constant dense<0xFF800000> : vector<512xf32>
    %reduce_or3A_25 = vector.multi_reduction <maximumf>, %reduce_or3A_23, %reduce_or3A_24 [1] : vector<512x512xf32> to vector<512xf32>
    %reduce_or3A_26 = arith.constant 0.000000e+00 : f32
    %reduce_or3A_27 = vector.broadcast %reduce_or3A_26 : f32 to vector<512xf32>
    %reduce_or3A_28 = arith.cmpf ogt, %reduce_or3A_25, %reduce_or3A_27 : vector<512xf32>
    %broadcast_in_dim3A = vector.shape_cast %reduce_or3A_28 : vector<512xi1> to vector<512x1xi1>
    %jit3A = arith.constant 0.000000e+00 : f32
    %jit3A_29 = arith.constant 1.000000e+00 : f32
    %broadcast_in_dim3A_30 = vector.broadcast %jit3A : f32 to vector<512x1xf32>
    %broadcast_in_dim3A_31 = vector.broadcast %jit3A_29 : f32 to vector<512x1xf32>
    %select_n3A = arith.select %broadcast_in_dim3A, %broadcast_in_dim3A_30, %broadcast_in_dim3A_31 : vector<512x1xi1>, vector<512x1xf32>
    %reduce_sum3A = vector.shape_cast %select_n3A : vector<512x1xf32> to vector<1x512x1xf32>
    %reduce_sum3A_32 = arith.constant dense<0.000000e+00> : vector<1xf32>
    %reduce_sum3A_33 = vector.multi_reduction <add>, %reduce_sum3A, %reduce_sum3A_32 [1, 2] : vector<1x512x1xf32> to vector<1xf32>
    %reduce_sum3A_34 = vector.shape_cast %reduce_sum3A_33 : vector<1xf32> to vector<1x1x1xf32>
    %reduce_sum3A_35 = vector.extract %reduce_sum3A_34[0, 0, 0] : f32 from vector<1x1x1xf32>
    %get3A_36 = arith.constant 0 : index
    %get3A_37 = arith.constant 0 : index
    %get3A_38 = vector.load %arg2[%get3A_36, %get3A_37] : memref<2048x1xf32, #tpu.memory_space<vmem>>, vector<2048x1xf32>
    %gt3A = arith.constant 0.000000e+00 : f32
    %gt3A_39 = vector.broadcast %gt3A : f32 to vector<2048x1xf32>
    %gt3A_40 = arith.cmpf ogt, %get3A_38, %gt3A_39 : vector<2048x1xf32>
    %get3A_41 = arith.constant 0 : index
    %get3A_42 = arith.constant 0 : index
    %get3A_43 = vector.load %arg3[%get3A_41, %get3A_42] : memref<1x2048xf32, #tpu.memory_space<vmem>>, vector<1x2048xf32>
    %gt3A_44 = arith.constant 0.000000e+00 : f32
    %gt3A_45 = vector.broadcast %gt3A_44 : f32 to vector<1x2048xf32>
    %gt3A_46 = arith.cmpf ogt, %get3A_43, %gt3A_45 : vector<1x2048xf32>
    %get3A_47 = arith.constant 0 : index
    %get3A_48 = arith.constant 0 : index
    %get3A_49 = vector.load %arg8[%get3A_47, %get3A_48] : memref<2048x1xi32, #tpu.memory_space<vmem>>, vector<2048x1xi32>
    %mul3A_50 = arith.constant 1024 : i32
    %mul3A_51 = vector.broadcast %mul3A_50 : i32 to vector<2048x1xi32>
    %mul3A_52 = arith.muli %get3A_49, %mul3A_51 : vector<2048x1xi32>
    %get3A_53 = arith.constant 0 : index
    %get3A_54 = arith.constant 0 : index
    %get3A_55 = vector.load %arg10[%get3A_53, %get3A_54] : memref<2048x1xi32, #tpu.memory_space<vmem>>, vector<2048x1xi32>
    %add3A_56 = arith.addi %mul3A_52, %get3A_55 : vector<2048x1xi32>
    %get3A_57 = arith.constant 0 : index
    %get3A_58 = arith.constant 0 : index
    %get3A_59 = vector.load %arg9[%get3A_57, %get3A_58] : memref<1x2048xi32, #tpu.memory_space<vmem>>, vector<1x2048xi32>
    %mul3A_60 = arith.constant 1024 : i32
    %mul3A_61 = vector.broadcast %mul3A_60 : i32 to vector<1x2048xi32>
    %mul3A_62 = arith.muli %get3A_59, %mul3A_61 : vector<1x2048xi32>
    %get3A_63 = arith.constant 0 : index
    %get3A_64 = arith.constant 0 : index
    %get3A_65 = vector.load %arg11[%get3A_63, %get3A_64] : memref<1x2048xi32, #tpu.memory_space<vmem>>, vector<1x2048xi32>
    %add3A_66 = arith.addi %mul3A_62, %get3A_65 : vector<1x2048xi32>
    %eq3A_67 = vector.broadcast %add3A_56 : vector<2048x1xi32> to vector<2048x2048xi32>
    %eq3A_68 = vector.broadcast %add3A_66 : vector<1x2048xi32> to vector<2048x2048xi32>
    %eq3A_69 = arith.cmpi eq, %eq3A_67, %eq3A_68 : vector<2048x2048xi32>
    %iota3A_70 = tpu.iota {dimensions = array<i32: 0>} : vector<2048x2048xi32>
    %iota3A_71 = tpu.iota {dimensions = array<i32: 1>} : vector<2048x2048xi32>
    %lt3A_72 = arith.cmpi slt, %iota3A_71, %iota3A_70 : vector<2048x2048xi32>
    %and3A_73 = arith.andi %eq3A_69, %lt3A_72 : vector<2048x2048xi1>
    %gt3A_74 = arith.cmpi sgt, %iota3A_71, %iota3A_70 : vector<2048x2048xi32>
    %and3A_75 = arith.andi %eq3A_69, %gt3A_74 : vector<2048x2048xi1>
    %reduce_or3A_76 = arith.constant 1.000000e+00 : f32
    %reduce_or3A_77 = arith.constant 0.000000e+00 : f32
    %reduce_or3A_78 = vector.broadcast %reduce_or3A_76 : f32 to vector<2048x2048xf32>
    %reduce_or3A_79 = vector.broadcast %reduce_or3A_77 : f32 to vector<2048x2048xf32>
    %reduce_or3A_80 = arith.select %and3A_73, %reduce_or3A_78, %reduce_or3A_79 : vector<2048x2048xi1>, vector<2048x2048xf32>
    %reduce_or3A_81 = arith.constant dense<0xFF800000> : vector<2048xf32>
    %reduce_or3A_82 = vector.multi_reduction <maximumf>, %reduce_or3A_80, %reduce_or3A_81 [1] : vector<2048x2048xf32> to vector<2048xf32>
    %reduce_or3A_83 = arith.constant 0.000000e+00 : f32
    %reduce_or3A_84 = vector.broadcast %reduce_or3A_83 : f32 to vector<2048xf32>
    %reduce_or3A_85 = arith.cmpf ogt, %reduce_or3A_82, %reduce_or3A_84 : vector<2048xf32>
    %broadcast_in_dim3A_86 = vector.shape_cast %reduce_or3A_85 : vector<2048xi1> to vector<2048x1xi1>
    %not3A = arith.constant dense<true> : vector<2048x1xi1>
    %not3A_87 = arith.xori %broadcast_in_dim3A_86, %not3A : vector<2048x1xi1>
    %reduce_or3A_88 = arith.constant 1.000000e+00 : f32
    %reduce_or3A_89 = arith.constant 0.000000e+00 : f32
    %reduce_or3A_90 = vector.broadcast %reduce_or3A_88 : f32 to vector<2048x2048xf32>
    %reduce_or3A_91 = vector.broadcast %reduce_or3A_89 : f32 to vector<2048x2048xf32>
    %reduce_or3A_92 = arith.select %and3A_75, %reduce_or3A_90, %reduce_or3A_91 : vector<2048x2048xi1>, vector<2048x2048xf32>
    %reduce_or3A_93 = arith.constant dense<0xFF800000> : vector<2048xf32>
    %reduce_or3A_94 = vector.multi_reduction <maximumf>, %reduce_or3A_92, %reduce_or3A_93 [1] : vector<2048x2048xf32> to vector<2048xf32>
    %reduce_or3A_95 = arith.constant 0.000000e+00 : f32
    %reduce_or3A_96 = vector.broadcast %reduce_or3A_95 : f32 to vector<2048xf32>
    %reduce_or3A_97 = arith.cmpf ogt, %reduce_or3A_94, %reduce_or3A_96 : vector<2048xf32>
    %broadcast_in_dim3A_98 = vector.shape_cast %reduce_or3A_97 : vector<2048xi1> to vector<2048x1xi1>
    %not3A_99 = arith.constant dense<true> : vector<2048x1xi1>
    %not3A_100 = arith.xori %broadcast_in_dim3A_98, %not3A_99 : vector<2048x1xi1>
    %reduce_or3A_101 = arith.constant 1.000000e+00 : f32
    %reduce_or3A_102 = arith.constant 0.000000e+00 : f32
    %reduce_or3A_103 = vector.broadcast %reduce_or3A_101 : f32 to vector<2048x2048xf32>
    %reduce_or3A_104 = vector.broadcast %reduce_or3A_102 : f32 to vector<2048x2048xf32>
    %reduce_or3A_105 = arith.select %and3A_75, %reduce_or3A_103, %reduce_or3A_104 : vector<2048x2048xi1>, vector<2048x2048xf32>
    %reduce_or3A_106 = arith.constant dense<0xFF800000> : vector<2048xf32>
    %reduce_or3A_107 = vector.multi_reduction <maximumf>, %reduce_or3A_105, %reduce_or3A_106 [0] : vector<2048x2048xf32> to vector<2048xf32>
    %reduce_or3A_108 = arith.constant 0.000000e+00 : f32
    %reduce_or3A_109 = vector.broadcast %reduce_or3A_108 : f32 to vector<2048xf32>
    %reduce_or3A_110 = arith.cmpf ogt, %reduce_or3A_107, %reduce_or3A_109 : vector<2048xf32>
    %broadcast_in_dim3A_111 = vector.shape_cast %reduce_or3A_110 : vector<2048xi1> to vector<1x2048xi1>
    %not3A_112 = arith.constant dense<true> : vector<1x2048xi1>
    %not3A_113 = arith.xori %broadcast_in_dim3A_111, %not3A_112 : vector<1x2048xi1>
    %reduce_or3A_114 = arith.constant 1.000000e+00 : f32
    %reduce_or3A_115 = arith.constant 0.000000e+00 : f32
    %reduce_or3A_116 = vector.broadcast %reduce_or3A_114 : f32 to vector<2048x2048xf32>
    %reduce_or3A_117 = vector.broadcast %reduce_or3A_115 : f32 to vector<2048x2048xf32>
    %reduce_or3A_118 = arith.select %and3A_73, %reduce_or3A_116, %reduce_or3A_117 : vector<2048x2048xi1>, vector<2048x2048xf32>
    %reduce_or3A_119 = arith.constant dense<0xFF800000> : vector<2048xf32>
    %reduce_or3A_120 = vector.multi_reduction <maximumf>, %reduce_or3A_118, %reduce_or3A_119 [0] : vector<2048x2048xf32> to vector<2048xf32>
    %reduce_or3A_121 = arith.constant 0.000000e+00 : f32
    %reduce_or3A_122 = vector.broadcast %reduce_or3A_121 : f32 to vector<2048xf32>
    %reduce_or3A_123 = arith.cmpf ogt, %reduce_or3A_120, %reduce_or3A_122 : vector<2048xf32>
    %broadcast_in_dim3A_124 = vector.shape_cast %reduce_or3A_123 : vector<2048xi1> to vector<1x2048xi1>
    %not3A_125 = arith.constant dense<true> : vector<1x2048xi1>
    %not3A_126 = arith.xori %broadcast_in_dim3A_124, %not3A_125 : vector<1x2048xi1>
    %and3A_127 = arith.andi %not3A_87, %gt3A_40 : vector<2048x1xi1>
    %and3A_128 = arith.andi %not3A_113, %gt3A_46 : vector<1x2048xi1>
    %jit3A_129 = arith.constant 1.000000e+00 : f32
    %jit3A_130 = arith.constant 0.000000e+00 : f32
    %broadcast_in_dim3A_131 = vector.broadcast %jit3A_129 : f32 to vector<2048x1xf32>
    %broadcast_in_dim3A_132 = vector.broadcast %jit3A_130 : f32 to vector<2048x1xf32>
    %select_n3A_133 = arith.select %and3A_127, %broadcast_in_dim3A_131, %broadcast_in_dim3A_132 : vector<2048x1xi1>, vector<2048x1xf32>
    %reduce_sum3A_134 = vector.shape_cast %select_n3A_133 : vector<2048x1xf32> to vector<1x2048x1xf32>
    %reduce_sum3A_135 = arith.constant dense<0.000000e+00> : vector<1xf32>
    %reduce_sum3A_136 = vector.multi_reduction <add>, %reduce_sum3A_134, %reduce_sum3A_135 [1, 2] : vector<1x2048x1xf32> to vector<1xf32>
    %reduce_sum3A_137 = vector.shape_cast %reduce_sum3A_136 : vector<1xf32> to vector<1x1x1xf32>
    %reduce_sum3A_138 = vector.extract %reduce_sum3A_137[0, 0, 0] : f32 from vector<1x1x1xf32>
    %get3A_139 = arith.constant 0 : index
    %get3A_140 = arith.constant 0 : index
    %get3A_141 = vector.load %arg13[%get3A_139, %get3A_140] : memref<1x2048xf32, #tpu.memory_space<vmem>>, vector<1x2048xf32>
    %jit3A_142 = arith.constant 0.000000e+00 : f32
    %broadcast_in_dim3A_143 = vector.broadcast %jit3A_142 : f32 to vector<1x2048xf32>
    %select_n3A_144 = arith.select %not3A_126, %get3A_141, %broadcast_in_dim3A_143 : vector<1x2048xi1>, vector<1x2048xf32>
    %get3A_145 = arith.constant 0 : index
    %get3A_146 = arith.constant 0 : index
    %get3A_147 = vector.load %arg12[%get3A_145, %get3A_146] : memref<2048x1xf32, #tpu.memory_space<vmem>>, vector<2048x1xf32>
    %jit3A_148 = arith.constant 0.000000e+00 : f32
    %broadcast_in_dim3A_149 = vector.broadcast %jit3A_148 : f32 to vector<2048x1xf32>
    %select_n3A_150 = arith.select %not3A_100, %get3A_147, %broadcast_in_dim3A_149 : vector<2048x1xi1>, vector<2048x1xf32>
    %jit3A_151 = arith.constant 0.000000e+00 : f32
    %broadcast_in_dim3A_152 = vector.shape_cast %select_n3A_144 : vector<1x2048xf32> to vector<1x2048xf32>
    %broadcast_in_dim3A_153 = vector.broadcast %broadcast_in_dim3A_152 : vector<1x2048xf32> to vector<2048x2048xf32>
    %broadcast_in_dim3A_154 = vector.broadcast %jit3A_151 : f32 to vector<2048x2048xf32>
    %select_n3A_155 = arith.select %eq3A_69, %broadcast_in_dim3A_153, %broadcast_in_dim3A_154 : vector<2048x2048xi1>, vector<2048x2048xf32>
    %reduce_sum3A_156 = arith.constant dense<0.000000e+00> : vector<2048xf32>
    %reduce_sum3A_157 = vector.multi_reduction <add>, %select_n3A_155, %reduce_sum3A_156 [1] : vector<2048x2048xf32> to vector<2048xf32>
    %broadcast_in_dim3A_158 = vector.shape_cast %reduce_sum3A_157 : vector<2048xf32> to vector<2048x1xf32>
    %jit3A_159 = arith.constant 0.000000e+00 : f32
    %broadcast_in_dim3A_160 = vector.shape_cast %select_n3A_150 : vector<2048x1xf32> to vector<2048x1xf32>
    %broadcast_in_dim3A_161 = vector.broadcast %broadcast_in_dim3A_160 : vector<2048x1xf32> to vector<2048x2048xf32>
    %broadcast_in_dim3A_162 = vector.broadcast %jit3A_159 : f32 to vector<2048x2048xf32>
    %select_n3A_163 = arith.select %eq3A_69, %broadcast_in_dim3A_161, %broadcast_in_dim3A_162 : vector<2048x2048xi1>, vector<2048x2048xf32>
    %reduce_sum3A_164 = arith.constant dense<0.000000e+00> : vector<2048xf32>
    %reduce_sum3A_165 = vector.multi_reduction <add>, %select_n3A_163, %reduce_sum3A_164 [0] : vector<2048x2048xf32> to vector<2048xf32>
    %broadcast_in_dim3A_166 = vector.shape_cast %reduce_sum3A_165 : vector<2048xf32> to vector<1x2048xf32>
    %gt3A_167 = vector.broadcast %broadcast_in_dim3A_166 : vector<1x2048xf32> to vector<2048x2048xf32>
    %gt3A_168 = vector.broadcast %broadcast_in_dim3A_158 : vector<2048x1xf32> to vector<2048x2048xf32>
    %gt3A_169 = arith.cmpf ogt, %gt3A_167, %gt3A_168 : vector<2048x2048xf32>
    %eq3A_170 = vector.broadcast %broadcast_in_dim3A_166 : vector<1x2048xf32> to vector<2048x2048xf32>
    %eq3A_171 = vector.broadcast %broadcast_in_dim3A_158 : vector<2048x1xf32> to vector<2048x2048xf32>
    %eq3A_172 = arith.cmpf oeq, %eq3A_170, %eq3A_171 : vector<2048x2048xf32>
    %lt3A_173 = vector.broadcast %add3A_66 : vector<1x2048xi32> to vector<2048x2048xi32>
    %lt3A_174 = vector.broadcast %add3A_56 : vector<2048x1xi32> to vector<2048x2048xi32>
    %lt3A_175 = arith.cmpi slt, %lt3A_173, %lt3A_174 : vector<2048x2048xi32>
    %and3A_176 = arith.andi %eq3A_172, %lt3A_175 : vector<2048x2048xi1>
    %or3A = arith.ori %gt3A_169, %and3A_176 : vector<2048x2048xi1>
    %and3A_177 = vector.broadcast %and3A_128 : vector<1x2048xi1> to vector<2048x2048xi1>
    %and3A_178 = arith.andi %and3A_177, %or3A : vector<2048x2048xi1>
    %jit3A_179 = arith.constant 1.000000e+00 : f32
    %jit3A_180 = arith.constant 0.000000e+00 : f32
    %broadcast_in_dim3A_181 = vector.broadcast %jit3A_179 : f32 to vector<2048x2048xf32>
    %broadcast_in_dim3A_182 = vector.broadcast %jit3A_180 : f32 to vector<2048x2048xf32>
    %select_n3A_183 = arith.select %and3A_178, %broadcast_in_dim3A_181, %broadcast_in_dim3A_182 : vector<2048x2048xi1>, vector<2048x2048xf32>
    %reduce_sum3A_184 = arith.constant dense<0.000000e+00> : vector<2048xf32>
    %reduce_sum3A_185 = vector.multi_reduction <add>, %select_n3A_183, %reduce_sum3A_184 [1] : vector<2048x2048xf32> to vector<2048xf32>
    %broadcast_in_dim3A_186 = vector.shape_cast %reduce_sum3A_185 : vector<2048xf32> to vector<2048x1xf32>
    %lt3A_187 = arith.constant 2.560000e+02 : f32
    %lt3A_188 = vector.broadcast %lt3A_187 : f32 to vector<2048x1xf32>
    %lt3A_189 = arith.cmpf olt, %broadcast_in_dim3A_186, %lt3A_188 : vector<2048x1xf32>
    %and3A_190 = arith.andi %and3A_127, %lt3A_189 : vector<2048x1xi1>
    %jit3A_191 = arith.constant 1.000000e+00 : f32
    %jit3A_192 = arith.constant 0.000000e+00 : f32
    %broadcast_in_dim3A_193 = vector.broadcast %jit3A_191 : f32 to vector<2048x1xf32>
    %broadcast_in_dim3A_194 = vector.broadcast %jit3A_192 : f32 to vector<2048x1xf32>
    %select_n3A_195 = arith.select %and3A_190, %broadcast_in_dim3A_193, %broadcast_in_dim3A_194 : vector<2048x1xi1>, vector<2048x1xf32>
    %gt3A_196 = arith.constant 2.560000e+02 : f32
    %gt3A_197 = arith.cmpf ogt, %reduce_sum3A_138, %gt3A_196 : f32
    %select_n3A_198 = arith.select %gt3A_197, %select_n3A_195, %select_n3A_133 : vector<2048x1xf32>
    %reduce_sum3A_199 = vector.shape_cast %select_n3A_198 : vector<2048x1xf32> to vector<1x2048x1xf32>
    %reduce_sum3A_200 = arith.constant dense<0.000000e+00> : vector<1xf32>
    %reduce_sum3A_201 = vector.multi_reduction <add>, %reduce_sum3A_199, %reduce_sum3A_200 [1, 2] : vector<1x2048x1xf32> to vector<1xf32>
    %reduce_sum3A_202 = vector.shape_cast %reduce_sum3A_201 : vector<1xf32> to vector<1x1x1xf32>
    %reduce_sum3A_203 = vector.extract %reduce_sum3A_202[0, 0, 0] : f32 from vector<1x1x1xf32>
    %eq3A_204 = vector.broadcast %add3A_56 : vector<2048x1xi32> to vector<2048x512xi32>
    %eq3A_205 = vector.broadcast %add3A_16 : vector<1x512xi32> to vector<2048x512xi32>
    %eq3A_206 = arith.cmpi eq, %eq3A_204, %eq3A_205 : vector<2048x512xi32>
    %reduce_or3A_207 = arith.constant 1.000000e+00 : f32
    %reduce_or3A_208 = arith.constant 0.000000e+00 : f32
    %reduce_or3A_209 = vector.broadcast %reduce_or3A_207 : f32 to vector<2048x512xf32>
    %reduce_or3A_210 = vector.broadcast %reduce_or3A_208 : f32 to vector<2048x512xf32>
    %reduce_or3A_211 = arith.select %eq3A_206, %reduce_or3A_209, %reduce_or3A_210 : vector<2048x512xi1>, vector<2048x512xf32>
    %reduce_or3A_212 = arith.constant dense<0xFF800000> : vector<2048xf32>
    %reduce_or3A_213 = vector.multi_reduction <maximumf>, %reduce_or3A_211, %reduce_or3A_212 [1] : vector<2048x512xf32> to vector<2048xf32>
    %reduce_or3A_214 = arith.constant 0.000000e+00 : f32
    %reduce_or3A_215 = vector.broadcast %reduce_or3A_214 : f32 to vector<2048xf32>
    %reduce_or3A_216 = arith.cmpf ogt, %reduce_or3A_213, %reduce_or3A_215 : vector<2048xf32>
    %broadcast_in_dim3A_217 = vector.shape_cast %reduce_or3A_216 : vector<2048xi1> to vector<2048x1xi1>
    %jit3A_218 = arith.constant 0.000000e+00 : f32
    %broadcast_in_dim3A_219 = vector.broadcast %jit3A_218 : f32 to vector<2048x1xf32>
    %select_n3A_220 = arith.select %broadcast_in_dim3A_217, %select_n3A_198, %broadcast_in_dim3A_219 : vector<2048x1xi1>, vector<2048x1xf32>
    %reduce_sum3A_221 = vector.shape_cast %select_n3A_220 : vector<2048x1xf32> to vector<1x2048x1xf32>
    %reduce_sum3A_222 = arith.constant dense<0.000000e+00> : vector<1xf32>
    %reduce_sum3A_223 = vector.multi_reduction <add>, %reduce_sum3A_221, %reduce_sum3A_222 [1, 2] : vector<1x2048x1xf32> to vector<1xf32>
    %reduce_sum3A_224 = vector.shape_cast %reduce_sum3A_223 : vector<1xf32> to vector<1x1x1xf32>
    %reduce_sum3A_225 = vector.extract %reduce_sum3A_224[0, 0, 0] : f32 from vector<1x1x1xf32>
    %max3A = arith.constant 1.000000e+00 : f32
    %max3A_226 = arith.maximumf %reduce_sum3A_35, %max3A : f32
    %div3A = arith.constant 0x49800000 : f32
    %div3A_227 = arith.divf %max3A_226, %div3A : f32
    %div3A_228 = arith.constant 1.000000e+00 : f32
    %div3A_229 = arith.divf %div3A_228, %div3A_227 : f32
    %add3A_230 = arith.addf %reduce_sum3A_203, %reduce_sum3A_35 : f32
    %mul3A_231 = arith.constant 2.000000e+00 : f32
    %mul3A_232 = arith.mulf %mul3A_231, %reduce_sum3A_225 : f32
    %sub3A = arith.subf %add3A_230, %mul3A_232 : f32
    %mul3A_233 = arith.constant 1.41421354 : f32
    %mul3A_234 = arith.mulf %mul3A_233, %div3A_229 : f32
    %div3A_235 = arith.constant 0x49800000 : f32
    %div3A_236 = arith.divf %sub3A, %div3A_235 : f32
    %mul3A_237 = arith.mulf %mul3A_234, %div3A_236 : f32
    %swap3A = arith.constant 0 : index
    %swap3A_238 = arith.constant 0 : index
    %swap3A_239 = memref.load %arg15[%swap3A, %swap3A_238] : memref<1x1xf32, #tpu.memory_space<smem>>
    memref.store %mul3A_237, %arg15[%swap3A, %swap3A_238] : memref<1x1xf32, #tpu.memory_space<smem>>
    %swap3A_240 = arith.constant 0.000000e+00 : f32
    %swap3A_241 = arith.constant 0 : index
    %swap3A_242 = arith.constant 0 : index
    %swap3A_243 = memref.load %arg16[%swap3A_241, %swap3A_242] : memref<1x1xf32, #tpu.memory_space<smem>>
    memref.store %swap3A_240, %arg16[%swap3A_241, %swap3A_242] : memref<1x1xf32, #tpu.memory_space<smem>>
    %add3A_244 = arith.constant 0.000000e+00 : f32
    %add3A_245 = arith.addf %mul3A_237, %add3A_244 : f32
    %swap3A_246 = arith.constant 0 : index
    %swap3A_247 = arith.constant 0 : index
    %swap3A_248 = memref.load %arg14[%swap3A_246, %swap3A_247] : memref<1x1xf32, #tpu.memory_space<smem>>
    memref.store %add3A_245, %arg14[%swap3A_246, %swap3A_247] : memref<1x1xf32, #tpu.memory_space<smem>>
    %get3A_249 = arith.constant 0 : index
    %get3A_250 = arith.constant 0 : index
    %get3A_251 = vector.load %arg0[%get3A_249, %get3A_250] : memref<1x1024xf32, #tpu.memory_space<vmem>>, vector<1x1024xf32>
    %get3A_252 = arith.constant 0 : index
    %get3A_253 = arith.constant 0 : index
    %get3A_254 = vector.load %arg1[%get3A_252, %get3A_253] : memref<1x1024xf32, #tpu.memory_space<vmem>>, vector<1x1024xf32>
    %concatenate3A = tpu.concatenate %get3A_251, %get3A_254 in 1 : vector<1x1024xf32>, vector<1x1024xf32> -> vector<1x2048xf32>
    %sub3A_255 = arith.constant 1.000000e+00 : f32
    %sub3A_256 = vector.broadcast %sub3A_255 : f32 to vector<1x2048xf32>
    %sub3A_257 = arith.subf %sub3A_256, %concatenate3A : vector<1x2048xf32>
    %swap3A_258 = arith.constant 0 : index
    %swap3A_259 = arith.constant 0 : index
    %swap3A_260 = vector.load %arg17[%swap3A_258, %swap3A_259] : memref<1x2048xf32, #tpu.memory_space<vmem>>, vector<1x2048xf32>
    tpu.vector_store %arg17[%swap3A_258, %swap3A_259], %sub3A_257 {strides = array<i32>} : memref<1x2048xf32, #tpu.memory_space<vmem>>, vector<1x2048xf32>,
    return
  }
}

</mosaic_0001>

<sc_bundles>
// kernel: kernel.6.cloned.1.call-start
scs
__scs_entry_jumppad:
0x0: {  	(pc) =	sbr.rel $0x88, $3  }
0x1: {  	(tag) =	ssettag $0x0;
	lr =	simm.s32 $0x1  }
0x2: {  	[smem:$0x3F97] =	sst lr;
	_ =	strace $0xD0000000  }
0x3: {  	_ = 	snop  }
0x4: {  	_ = 	snop  }
0x5: {  	_ = 	snop  }
0x6: {  	_ = 	snop  }
0x7: {  	_ = 	snop  }
__scs_overlays_trampoline_lowered:
0x8: {  	[smem:$0x3FA6] =	sst s0  }
0x9: {  	[smem:$0x3FA7] =	sst s1  }
0xa: {  	[smem:$0x3FA8] =	sst s2  }
0xb: {  	[smem:$0x3FA9] =	sst s3  }
0xc: {  	[smem:$0x3FAA] =	sst s4  }
0xd: {  	[smem:$0x3FAB] =	sst s5  }
0xe: {  	[smem:$0x3FAC] =	sst s6  }
0xf: {  	[smem:$0x3FAD] =	sst s7  }
0x10: {  	[smem:$0x3FAE] =	sst s8  }
0x11: {  	[smem:$0x3FAF] =	sst s9;
	s0 =	simm.s32 @!p0 $0x0  }
0x12: {  	s1 =	sld [smem:$0x3F95];
	s0 =	simm.s32 @p0 $0x1  }
0x13: {  	[smem:$0x3FB0] =	sst s0;
	s0 =	simm.s32 @!p1 $0x0  }
0x14: {  	s2 =	sld [smem:$0x3F94];
	s0 =	simm.s32 @p1 $0x1  }
0x15: {  	[smem:$0x3FB1] =	sst s0;
	s0 =	simm.s32 @!p2 $0x0  }
0x16: {  	s3 =	sld [smem:$0x3FDB];
	s0 =	simm.s32 @p2 $0x1  }
0x17: {  	s4 =	simm.s32 $0x1BF5;
	[smem:$0x3FB3] =	sst s0  }
0x18: {  	s0 =	sld [smem:$0x3F96];
	_ =	swait.ge [sflag:s4], $0x0  }
0x19: {  	s7 =	sld [smem:$0x3F97]  }
0x1a: {  	s8 =	sadd.s32 $0xFFFFE003, lr  }
0x1b: {  	s9 =	sadd.s32 $0xFFFFFEF7, lr;
	s5 =	simm.s32 $0xFFFFFFFF;
	p2 =	slt.u32 s8, $0xFFFFF086  }
0x1c: {  	p1 =	slt.u32 s9, $0xF7A;
	s5 =	simm.s32 @!p2 $0x0  }
0x1d: {  	s5 =	simm.s32 @p1 $0x1;
	p0 =	seq.s32 s7, s2  }
0x1e: {  	s7 =	smul.u32 @!p0 $0xF7A, s2;
	p2 =	seq.s32 @!p0 s5, $0x0  }
0x1f: {  	s9 =	smul.u32 $0xF7A, s1;
	s8 =	simm.s32 @!p0 $0x1BF5;
	p2 =	por !p2, p0  }
0x20: {  	[sflag:s8] =	ssyncset.s32 @!p0 $0xFFFFF086;
	s6 =	sadd.s32 @!p0 s3, s7;
	s7 =	simm.s32 @!p0 $0x108  }
0x21: {  	s3 =	sadd.s32 s3, s9;
	s6 =	sadd.s32 @!p0 $0x88, s6;
	s7 =	simm.s32 @p2 $0x1082  }
0x22: {  	[simem:s7], [sflag:s8] =	dma.local @!p0 [hbm:s6], $0xF7A  }
0x23: {  	s9 =	sor.u32 $0xD0000000, s2;
	s6 =	simm.s32 $0x108;
	_ =	swait.ge @!p0 [sflag:s8], $0x0  }
0x24: {  	s3 =	sadd.s32 $0x88, s3;
	s6 =	simm.s32 @!p1 $0x1082;
	[sflag:s4] =	ssyncset.s32 $0xFFFFF086  }
0x25: {  	[simem:s6], [sflag:s4] =	dma.local [hbm:s3], $0xF7A  }
0x26: {  	[smem:$0x3F97] =	sst s1;
	(tag) =	ssettag s2;
	_ =	strace s9  }
0x27: {  	s1 =	sld [smem:$0x3FA7]  }
0x28: {  	s2 =	sld [smem:$0x3FA8]  }
0x29: {  	s4 =	sld [smem:$0x3FAA]  }
0x2a: {  	p0 =	seq.s32 s5, $0x0;
	s5 =	sld [smem:$0x3FAB]  }
0x2b: {  	s6 =	sld [smem:$0x3FAC]  }
0x2c: {  	s7 =	sld [smem:$0x3FAD]  }
0x2d: {  	s3 =	simm.s32 $0x108;
	s8 =	sld [smem:$0x3FAE]  }
0x2e: {  	s3 =	simm.s32 @!p0 $0x1082;
	s9 =	sld [smem:$0x3FAF]  }
0x2f: {  	lr =	sadd.s32 s0, s3;
	s0 =	sld [smem:$0x3FA6]  }
0x30: {  	s3 =	sld [smem:$0x3FA9]  }
0x31: {  	[smem:$0x3FB2] =	sst s10  }
0x32: {  	s10 =	sld [smem:$0x3FB0];
	_ =	sdelay $0x3  }
0x33: {  	p0 =	seq.s32 s10, $0x1;
	s10 =	sld [smem:$0x3FB2];
	_ =	sdelay $0x3  }
0x34: {  	[smem:$0x3FB2] =	sst s10  }
0x35: {  	s10 =	sld [smem:$0x3FB1];
	_ =	sdelay $0x3  }
0x36: {  	p1 =	seq.s32 s10, $0x1;
	s10 =	sld [smem:$0x3FB2];
	_ =	sdelay $0x3  }
0x37: {  	[smem:$0x3FB2] =	sst s10  }
0x38: {  	s10 =	sld [smem:$0x3FB3]  }
0x39: {  	_ = 	snop;
	(pc) =	sbr.ind lr, $3  }
0x3a: {  	_ = 	snop  }
0x3b: {  	_ = 	snop  }
0x3c: {  	p2 =	seq.s32 s10, $0x1;
	s10 =	sld [smem:$0x3FB2]  }
0x3d: {  	_ =	shalt  }
0x3e: {  	_ =	shalt  }
0x3f: {  	_ =	shalt  }
0x40: {  	_ =	shalt  }
0x41: {  	_ =	shalt  }
0x42: {  	_ =	shalt  }
0x43: {  	_ =	shalt  }
0x44: {  	_ =	shalt  }
0x45: {  	_ =	shalt  }
0x46: {  	_ =	shalt  }
0x47: {  	_ =	shalt  }
0x48: {  	_ =	shalt  }
0x49: {  	_ =	shalt  }
0x4a: {  	_ =	shalt  }
0x4b: {  	_ =	shalt  }
0x4c: {  	_ =	shalt  }
0x4d: {  	_ =	shalt  }
0x4e: {  	_ =	shalt  }
0x4f: {  	_ =	shalt  }
0x50: {  	_ =	shalt  }
0x51: {  	_ =	shalt  }
0x52: {  	_ =	shalt  }
0x53: {  	_ =	shalt  }
0x54: {  	_ =	shalt  }
0x55: {  	_ =	shalt  }
0x56: {  	_ =	shalt  }
0x57: {  	_ =	shalt  }
0x58: {  	_ =	shalt  }
0x59: {  	_ =	shalt  }
0x5a: {  	_ =	shalt  }
0x5b: {  	_ =	shalt  }
0x5c: {  	_ =	shalt  }
0x5d: {  	_ =	shalt  }
0x5e: {  	_ =	shalt  }
0x5f: {  	_ =	shalt  }
0x60: {  	_ =	shalt  }
0x61: {  	_ =	shalt  }
0x62: {  	_ =	shalt  }
0x63: {  	_ =	shalt  }
0x64: {  	_ =	shalt  }
0x65: {  	_ =	shalt  }
0x66: {  	_ =	shalt  }
0x67: {  	_ =	shalt  }
0x68: {  	_ =	shalt  }
0x69: {  	_ =	shalt  }
0x6a: {  	_ =	shalt  }
0x6b: {  	_ =	shalt  }
0x6c: {  	_ =	shalt  }
0x6d: {  	_ =	shalt  }
0x6e: {  	_ =	shalt  }
0x6f: {  	_ =	shalt  }
0x70: {  	_ =	shalt  }
0x71: {  	_ =	shalt  }
0x72: {  	_ =	shalt  }
0x73: {  	_ =	shalt  }
0x74: {  	_ =	shalt  }
0x75: {  	_ =	shalt  }
0x76: {  	_ =	shalt  }
0x77: {  	_ =	shalt  }
0x78: {  	_ =	shalt  }
0x79: {  	_ =	shalt  }
0x7a: {  	_ =	shalt  }
0x7b: {  	_ =	shalt  }
0x7c: {  	_ =	shalt  }
0x7d: {  	_ =	shalt  }
0x7e: {  	_ =	shalt  }
0x7f: {  	_ =	shalt  }
0x80: {  	_ =	shalt  }
0x81: {  	_ =	shalt  }
0x82: {  	_ =	shalt  }
0x83: {  	_ =	shalt  }
0x84: {  	_ =	shalt  }
0x85: {  	_ =	shalt  }
0x86: {  	_ =	shalt  }
0x87: {  	_ =	shalt  }
.Lfunc_end0:
.L_simem_size_0:
called_computation_lowered:
.L_overlay_start_0:
0x88: {  	s2 =	sld [smem:$0x3FD9]  }
0x89: {  	s3 =	sld [smem:$0x3FFE];
	_ =	sdelay $0x1  }
0x8a: {  	s1 =	srdreg.scid  }
0x8b: {  	s0 =	sand.u32 $0x1, s1  }
0x8c: {  	s14 =	sshll.u32 s0, $0xA;
	s2 =	sadd.s32 s3, s2  }
0x8d: {  	s2 =	sadd.s32 s2, s14  }
0x8e: {  	[smem:$0x3FBE] =	sst s2  }
0x8f: {  	_ = 	snop  }
0x90: {  	s2 =	sld [smem:$0x3FD0];
	_ =	sdelay $0x2  }
0x91: {  	s15 =	simm.s32 $0xA;
	s4 =	simm.s32 $0x10  }
0x92: {  	[smem:s4], [sflag:s15] =	dma.local [hbm:s2], $0x1  }
0x93: {  	_ =	swait.eq [sflag:s15], $0x1  }
0x94: {  	[sflag:s15] =	ssyncset.done $0x0  }
0x95: {  	[sflag:s15] =	ssyncadd.s32 $0xFFFFFFFF  }
0x96: {  	s16 =	sld [smem:$0x13];
	(tm) =	ssettm $0x1  }
0x97: {  	s17 =	sld [smem:$0x3FFB];
	_ =	sdelay $0x3  }
0x98: {  	_ =	strace s17  }
0x99: {  	s3 =	sld [smem:$0x3FFC];
	_ =	sdelay $0x3  }
0x9a: {  	_ =	strace s3  }
0x9b: {  	s3 =	sld [smem:$0x3FFD];
	_ =	sdelay $0x3  }
0x9c: {  	_ =	strace s3  }
0x9d: {  	_ =	strace $0x8FFFFFFF  }
0x9e: {  	s18 =	sld [smem:$0x3FDB];
	_ =	sdelay $0x1  }
0x9f: {  	s19 =	simm.s32 $_scs_section_size  }
0xa0: {  	s5 =	simm.s32 $_size__tile_overlayer_lowered;
	s6 =	simm.s32 $_tile_overlayer_lowered  }
0xa1: {  	s22 =	simm.s32 $0x1BFF;
	s21 =	sshll.u32 s6, $0x1;
	s3 =	sadd.s32 s19, s18  }
0xa2: {  	s7 =	simm.s32 $0x0;
	s20 =	sshll.u32 s5, $0x1;
	s5 =	sadd.s32 s21, s3  }
0xa3: {  	[timem:s7], [sflag:s22] =	dma.local [hbm:s5], s20  }
0xa4: {  	_ =	swait.ge [sflag:s22], s20  }
0xa5: {  	s4 =	ssub.s32 $0x0, s20;
	[sflag:s22] =	ssyncset.done $0x0  }
0xa6: {  	[sflag:s22] =	ssyncadd.s32 s4;
	_ =	sdelay $0x1  }
0xa7: {  	s23 =	simm.s32 $0x1B8B  }
0xa8: {  	_ =	swait.ge [sflag:s23], $0x1  }
0xa9: {  	[sflag:s23] =	ssyncset.done $0x0  }
0xaa: {  	s25 =	simm.s32 $0x1B8E;
	s24 =	sld [smem:$0x3FFE];
	[sflag:s23] =	ssyncadd.s32 $0xFFFFFFFF  }
0xab: {  	s26 =	simm.s32 $execute0_lowered;
	[smem:$0x3FD2] =	sst s25  }
0xac: {  	s5 =	sshll.u32 s26, $0x1;
	_ =	strace $0x80000046;
	[dreg:$0x1] =	wrdreg $0xFFFFFFFF  }
0xad: {  	s28 =	simm.s32 $_size_execute0_lowered;
	s3 =	sadd.s32 s3, s5;
	[dreg:$0x0] =	wrdreg $0x0  }
0xae: {  	s5 =	sshll.u32 s28, $0x1;
	[dreg:$0x2] =	wrdreg s3  }
0xaf: {  	[dreg:$0x3] =	wrdreg s5  }
0xb0: {  	[dreg:$0x4] =	wrdreg $0xC0  }
0xb1: {  	_ =	task [dreg:s7], $0x5FFFF  }
0xb2: {  	[dreg:$0x1] =	wrdreg $0xFFFFFFFF  }
0xb3: {  	[dreg:$0x0] =	wrdreg $0x60  }
0xb4: {  	[dreg:$0x2] =	wrdreg s24  }
0xb5: {  	[dreg:$0x3] =	wrdreg s16  }
0xb6: {  	[dreg:$0x4] =	wrdreg $0x0  }
0xb7: {  	[dreg:$0x5] =	wrdreg $0x9  }
0xb8: {  	_ =	task.clear_ibuf [dreg:s7], $0x6FFFF;
	_ =	strace $0x90000046  }
0xb9: {  	s29 =	simm.s32 $0x9;
	_ =	strace $0x80000048  }
0xba: {  	_ =	swait.ge [sflag:s29], $0x1  }
0xbb: {  	[sflag:s29] =	ssyncadd.s32 $0xFFFFFFFF  }
0xbc: {  	_ =	strace $0x90000048  }
0xbd: {  	_ =	sfence  }
0xbe: {  	s30 =	sld [smem:$0x0];
	_ =	sdelay $0x2  }
0xbf: {  	s31 =	sshll.u32 s1, $0xD;
	s1 =	sshrl.u32 s1, $0x2  }
0xc0: {  	s3 =	sand.u32 $0x4000, s31;
	s1 =	sadd.s32 s1, s30  }
0xc1: {  	s0 =	sor.u32 s3, s0;
	s1 =	sshll.u32 s1, $0x11  }
0xc2: {  	s0 =	sor.u32 s1, s0  }
0xc3: {  	s0 =	sadd.s32 $0x8F2B, s0  }
0xc4: {  	[sflag:s0] =	ssyncadd.remote.s32 $0x1  }
0xc5: {  	_ =	sfence.sel $0xFFFF  }
0xc6: {  	[dreg:$0x0] =	wrdreg $0xFFFFFFFF;
	(pc) =	sbr.abs _section_cstart, $3  }
0xc7: {  	[dreg:$0x1] =	wrdreg $0xFFFFFFFF  }
0xc8: {  	_ =	task.clear_ibuf [dreg:s7], $0x2FFFF;
	_ =	strace $0x9FFFFFFF  }
0xc9: {  	(tm) =	ssettm $0x7FFFFFFF  }
tec
execute0_lowered:
.L_overlay_start_1:
0x0: {  	(tag) =	ssettag $0x1  }
0x1: {  	s23 =	rddreg [dreg:$0x0]  }
0x2: {  	s2 =	rddreg [dreg:$0x1]  }
0x3: {  	s3 =	rddreg [dreg:$0x2]  }
0x4: {  	s0 =	rddreg [dreg:$0x3];
	s1 =	simm.s32 $0x0;
	s5 =	srdreg.scid  }
0x5: {  	[smem:$0x7FF] =	sst s1;
	s1 =	stileid.u32;
	s22 =	sand.u32 $0x1, s5  }
0x6: {  	s14 =	sadd.s32 $0x2800, s23;
	s4 =	smul.u32 $0xC80, s1;
	p0 =	seq.s32 s22, $0x1  }
0x7: {  	_ =	strace $0x80000047;
	s8 =	smul.u32 $0xC8, s1;
	s5 =	sshll.u32 @p0 s1, $0x6  }
0x8: {  	s7 =	simm.s32 @p0 $0x1;
	s13 =	sshrl.u32 s4, $0x3;
	s6 =	sadd.s32 s4, s3  }
0x9: {  	s5 =	sor.u32 @p0 $0x1C01, s5;
	s4 =	sadd.s32 s14, s13;
	s6 =	sshrl.u32 @p0 s6, $0x3  }
0xa: {  	[spmem:s6], [sflag:s5] =	dma.local @p0 [hbm:s4], $0x190  }
0xb: {  	_ =	swait.ge @p0 [sflag:s7], $0x190  }
0xc: {  	s9 =	simm.s32 @p0 $0x0;
	s8 =	sadd.s32 s8, s23;
	[sflag:s7] =	ssyncset.done @p0 $0x0  }
0xd: {  	s10 =	simm.s32 @p0 $0x1E00;
	s8 =	sadd.s32 $0x1A00, s8;
	[sflag:s7] =	ssyncadd.s32 @p0 $0xFFFFFE70  }
0xe: {  	[tilespmem:s10], [sflag:$0x1] =	stream.linear.gather @p0 [hbm4b:s8+s9], $0x640, $0x38;
	[tilespmem:$0x2B00] =	vst v63  }
0xf: {  	_ =	swait.ge @p0 [sflag:s7], $0x640  }
0x10: {  	[sflag:s7] =	ssyncset.done @p0 $0x0  }
0x11: {  	s11 =	simm.s32 @p0 $0x2480;
	[sflag:s7] =	ssyncadd.s32 @p0 $0xFFFFF9C0  }
0x12: {  	[tilespmem:s11], [sflag:$0x1] =	stream.linear.gather @p0 [hbm4b:s2+s9], $0x640, $0x38;
	[tilespmem:$0x2B00] =	vst v63  }
0x13: {  	_ =	swait.ge @p0 [sflag:s7], $0x640  }
0x14: {  	[sflag:s7] =	ssyncset.done @p0 $0x0  }
0x15: {  	[sflag:s7] =	ssyncadd.s32 @p0 $0xFFFFF9C0  }
0x16: {  	s12 =	simm.s32 @p0 $0x640;
	[bflag:$0x0] =	sbarrier.arrive @p0 $0xFFFF  }
0x17: {  	[spmem:s3] =	stream.indirect.scatter @p0 [tilespmem:s11], [sflag:$0x1], $0x1, s10, s12, $0xb8;
	[tilespmem:$0x2B00] =	vst v63  }
0x18: {  	_ =	swait.ge @p0 [sflag:s7], $0x640  }
0x19: {  	s15 =	smul.u32 $0xF00, s1;
	[sflag:s7] =	ssyncset.done @p0 $0x0  }
0x1a: {  	s18 =	smul.u32 $0xF0, s1;
	s13 =	sadd.s32 s13, s23;
	[sflag:s7] =	ssyncadd.s32 @p0 $0xFFFFF9C0  }
0x1b: {  	s16 =	sshll.u32 @!p0 s1, $0x6;
	s13 =	sadd.s32 $0x6400, s13;
	[bflag:$0x0] =	sbarrier.arrive @p0 $0xFFFF  }
0x1c: {  	[hbm:s13], [sflag:s5] =	dma.local @p0 [spmem:s6], $0x190  }
0x1d: {  	s24 =	sshrl.u32 s15, $0x3;
	s15 =	sadd.s32 s15, s3;
	_ =	swait.ge @p0 [sflag:s7], $0x190  }
0x1e: {  	s16 =	sor.u32 @!p0 $0x1C01, s16;
	s14 =	sadd.s32 s14, s24;
	[sflag:s7] =	ssyncset.done @p0 $0x0  }
0x1f: {  	s17 =	sshrl.u32 @!p0 s15, $0x3;
	s15 =	simm.s32 @!p0 $0x1;
	[sflag:s7] =	ssyncadd.s32 @p0 $0xFFFFFE70  }
0x20: {  	[spmem:s17], [sflag:s16] =	dma.local @!p0 [hbm:s14], $0x1E0  }
0x21: {  	_ =	swait.ge @!p0 [sflag:s15], $0x1E0  }
0x22: {  	s19 =	simm.s32 @!p0 $0x0;
	s18 =	sadd.s32 s18, s23;
	[sflag:s15] =	ssyncset.done @!p0 $0x0  }
0x23: {  	s20 =	simm.s32 @!p0 $0xF00;
	s18 =	sadd.s32 $0xA00, s18;
	[sflag:s15] =	ssyncadd.s32 @!p0 $0xFFFFFE20  }
0x24: {  	[tilespmem:s20], [sflag:$0x1] =	stream.linear.gather @!p0 [hbm4b:s18+s19], $0x780, $0x38;
	[tilespmem:$0x2B00] =	vst v63  }
0x25: {  	_ =	swait.ge @!p0 [sflag:s15], $0x780  }
0x26: {  	[sflag:s15] =	ssyncset.done @!p0 $0x0  }
0x27: {  	s21 =	simm.s32 @!p0 $0x1680;
	[sflag:s15] =	ssyncadd.s32 @!p0 $0xFFFFF880  }
0x28: {  	[tilespmem:s21], [sflag:$0x1] =	stream.linear.gather @!p0 [hbm4b:s2+s19], $0x780, $0x38;
	[tilespmem:$0x2B00] =	vst v63  }
0x29: {  	s25 =	ssub.s32 $0x2, s22;
	_ =	swait.ge @!p0 [sflag:s15], $0x780  }
0x2a: {  	s26 =	sshrl.u32 s25, $0x1;
	[sflag:s15] =	ssyncset.done @!p0 $0x0  }
0x2b: {  	s25 =	ssub.s32 s25, s26;
	[sflag:s15] =	ssyncadd.s32 @!p0 $0xFFFFF880  }
0x2c: {  	s22 =	simm.s32 @!p0 $0x780;
	s31 =	smax.u32 s25, $0x1;
	[bflag:$0x0] =	sbarrier.arrive @!p0 $0xFFFF  }
0x2d: {  	[spmem:s3] =	stream.indirect.scatter @!p0 [tilespmem:s21], [sflag:$0x1], $0x1, s20, s22, $0xb8;
	[tilespmem:$0x2B00] =	vst v63  }
0x2e: {  	s23 =	sadd.s32 s24, s23;
	s24 =	sadd.s32 $0xFFFFFFFF, s31;
	_ =	swait.ge @!p0 [sflag:s15], $0x780  }
0x2f: {  	p1 =	sne.s32 s24, $0x0;
	[sflag:s15] =	ssyncset.done @!p0 $0x0  }
.Ltmp0:
0x30: {  	[sflag:s15] =	ssyncadd.s32 @!p0 $0xFFFFF880;
	(pc) =	sbr.rel @!p1 .LBB2_2-.Ltmp0, $4  }
0x31: {  	s23 =	sadd.s32 $0x4600, s23;
	[bflag:$0x0] =	sbarrier.arrive @!p0 $0xFFFF  }
0x32: {  	[hbm:s23], [sflag:s16] =	dma.local @!p0 [spmem:s17], $0x1E0  }
0x33: {  	_ =	swait.ge @!p0 [sflag:s15], $0x1E0  }
0x34: {  	[sflag:s15] =	ssyncset.done @!p0 $0x0  }
.LBB2_1:
0x35: {  	s24 =	sadd.s32 $0xFFFFFFFF, s24;
	[sflag:s15] =	ssyncadd.s32 @!p0 $0xFFFFFE20  }
0x36: {  	[spmem:s6], [sflag:s5] =	dma.local @p0 [hbm:s4], $0x190  }
0x37: {  	p1 =	sne.s32 s24, $0x0;
	_ =	swait.ge @p0 [sflag:s7], $0x190  }
0x38: {  	[sflag:s7] =	ssyncset.done @p0 $0x0  }
0x39: {  	[sflag:s7] =	ssyncadd.s32 @p0 $0xFFFFFE70  }
0x3a: {  	[tilespmem:s10], [sflag:$0x1] =	stream.linear.gather @p0 [hbm4b:s8+s9], $0x640, $0x38;
	[tilespmem:$0x2B00] =	vst v63  }
0x3b: {  	_ =	swait.ge @p0 [sflag:s7], $0x640  }
0x3c: {  	[sflag:s7] =	ssyncset.done @p0 $0x0  }
0x3d: {  	[sflag:s7] =	ssyncadd.s32 @p0 $0xFFFFF9C0  }
0x3e: {  	[tilespmem:s11], [sflag:$0x1] =	stream.linear.gather @p0 [hbm4b:s2+s9], $0x640, $0x38;
	[tilespmem:$0x2B00] =	vst v63  }
0x3f: {  	_ =	swait.ge @p0 [sflag:s7], $0x640  }
0x40: {  	[sflag:s7] =	ssyncset.done @p0 $0x0  }
0x41: {  	[sflag:s7] =	ssyncadd.s32 @p0 $0xFFFFF9C0  }
0x42: {  	[bflag:$0x0] =	sbarrier.arrive @p0 $0xFFFF  }
0x43: {  	[spmem:s3] =	stream.indirect.scatter @p0 [tilespmem:s11], [sflag:$0x1], $0x1, s10, s12, $0xb8;
	[tilespmem:$0x2B00] =	vst v63  }
0x44: {  	_ =	swait.ge @p0 [sflag:s7], $0x640  }
0x45: {  	[sflag:s7] =	ssyncset.done @p0 $0x0  }
0x46: {  	[sflag:s7] =	ssyncadd.s32 @p0 $0xFFFFF9C0  }
0x47: {  	[bflag:$0x0] =	sbarrier.arrive @p0 $0xFFFF  }
0x48: {  	[hbm:s13], [sflag:s5] =	dma.local @p0 [spmem:s6], $0x190  }
0x49: {  	_ =	swait.ge @p0 [sflag:s7], $0x190  }
0x4a: {  	[sflag:s7] =	ssyncset.done @p0 $0x0  }
0x4b: {  	[sflag:s7] =	ssyncadd.s32 @p0 $0xFFFFFE70  }
0x4c: {  	[spmem:s17], [sflag:s16] =	dma.local @!p0 [hbm:s14], $0x1E0  }
0x4d: {  	_ =	swait.ge @!p0 [sflag:s15], $0x1E0  }
0x4e: {  	[sflag:s15] =	ssyncset.done @!p0 $0x0  }
0x4f: {  	[sflag:s15] =	ssyncadd.s32 @!p0 $0xFFFFFE20  }
0x50: {  	[tilespmem:s20], [sflag:$0x1] =	stream.linear.gather @!p0 [hbm4b:s18+s19], $0x780, $0x38;
	[tilespmem:$0x2B00] =	vst v63  }
0x51: {  	_ =	swait.ge @!p0 [sflag:s15], $0x780  }
0x52: {  	[sflag:s15] =	ssyncset.done @!p0 $0x0  }
0x53: {  	[sflag:s15] =	ssyncadd.s32 @!p0 $0xFFFFF880  }
0x54: {  	[tilespmem:s21], [sflag:$0x1] =	stream.linear.gather @!p0 [hbm4b:s2+s19], $0x780, $0x38;
	[tilespmem:$0x2B00] =	vst v63  }
0x55: {  	_ =	swait.ge @!p0 [sflag:s15], $0x780  }
0x56: {  	[sflag:s15] =	ssyncset.done @!p0 $0x0  }
0x57: {  	[sflag:s15] =	ssyncadd.s32 @!p0 $0xFFFFF880  }
0x58: {  	[bflag:$0x0] =	sbarrier.arrive @!p0 $0xFFFF  }
0x59: {  	[spmem:s3] =	stream.indirect.scatter @!p0 [tilespmem:s21], [sflag:$0x1], $0x1, s20, s22, $0xb8;
	[tilespmem:$0x2B00] =	vst v63  }
0x5a: {  	_ =	swait.ge @!p0 [sflag:s15], $0x780  }
0x5b: {  	[sflag:s15] =	ssyncset.done @!p0 $0x0  }
.Ltmp1:
0x5c: {  	[sflag:s15] =	ssyncadd.s32 @!p0 $0xFFFFF880;
	(pc) =	sbr.rel @p1 .LBB2_1-.Ltmp1, $4  }
0x5d: {  	[bflag:$0x0] =	sbarrier.arrive @!p0 $0xFFFF  }
0x5e: {  	[hbm:s23], [sflag:s16] =	dma.local @!p0 [spmem:s17], $0x1E0  }
0x5f: {  	_ =	swait.ge @!p0 [sflag:s15], $0x1E0  }
0x60: {  	[sflag:s15] =	ssyncset.done @!p0 $0x0  }
.LBB2_2:
0x61: {  	[sflag:s15] =	ssyncadd.s32 @!p0 $0xFFFFFE20  }
0x62: {  	_ =	sfence.sel $0x180000  }
0x63: {  	[bflag:$0x0] =	sbarrier.arrive $0xFFFF  }
0x64: {  	p0 =	sne.s32 s1, $0x0;
	_ =	strace $0x90000047  }
0x65: {  	s0 =	sadd.s32 @!p0 $0x100000, s0;
	[bflag:$0x2] =	sbarrier.arrive $0xFFFF  }
0x66: {  	[sflag:s0] =	ssyncadd.tile.s32 @!p0 $0x1;
	_ =	shalt  }
.Lfunc_end2:
_tile_overlayer_lowered:
.L_overlay_start_2:
0x67: {  	(tag) =	ssettag $0x2  }
0x68: {  	s0 =	rddreg [dreg:$0x0];
	s2 =	stileid.u32  }
0x69: {  	s1 =	rddreg [dreg:$0x1];
	p0 =	sne.s32 s2, $0x0  }
0x6a: {  	s3 =	rddreg [dreg:$0x2];
	[bflag:$0x3] =	sbarrier.arrive $0xFFFF;
	s2 =	simm.s32 @!p0 $0x1C01  }
0x6b: {  	[timem:s3], [sflag:s2] =	dma.local @!p0 [hbm:s0], s1  }
0x6c: {  	s0 =	simm.s32 @!p0 $0x1  }
0x6d: {  	_ =	swait.ge @!p0 [sflag:s0], s1  }
0x6e: {  	s1 =	ssub.s32 @!p0 $0x0, s1;
	[sflag:s0] =	ssyncset.done @!p0 $0x0  }
0x6f: {  	[sflag:s0] =	ssyncadd.s32 @!p0 s1  }
0x70: {  	[bflag:$0x3] =	sbarrier.arrive $0xFFFF  }
0x71: {  	_ =	shalt  }

// kernel: kernel.9.cloned.1.call-start
scs
__scs_entry_jumppad:
0x0: {  	(pc) =	sbr.rel $0x88, $3  }
0x1: {  	(tag) =	ssettag $0x0;
	lr =	simm.s32 $0x1  }
0x2: {  	[smem:$0x3F97] =	sst lr;
	_ =	strace $0xD0000000  }
0x3: {  	_ = 	snop  }
0x4: {  	_ = 	snop  }
0x5: {  	_ = 	snop  }
0x6: {  	_ = 	snop  }
0x7: {  	_ = 	snop  }
__scs_overlays_trampoline_lowered:
0x8: {  	[smem:$0x3FA6] =	sst s0  }
0x9: {  	[smem:$0x3FA7] =	sst s1  }
0xa: {  	[smem:$0x3FA8] =	sst s2  }
0xb: {  	[smem:$0x3FA9] =	sst s3  }
0xc: {  	[smem:$0x3FAA] =	sst s4  }
0xd: {  	[smem:$0x3FAB] =	sst s5  }
0xe: {  	[smem:$0x3FAC] =	sst s6  }
0xf: {  	[smem:$0x3FAD] =	sst s7  }
0x10: {  	[smem:$0x3FAE] =	sst s8  }
0x11: {  	[smem:$0x3FAF] =	sst s9;
	s0 =	simm.s32 @!p0 $0x0  }
0x12: {  	s1 =	sld [smem:$0x3F95];
	s0 =	simm.s32 @p0 $0x1  }
0x13: {  	[smem:$0x3FB0] =	sst s0;
	s0 =	simm.s32 @!p1 $0x0  }
0x14: {  	s2 =	sld [smem:$0x3F94];
	s0 =	simm.s32 @p1 $0x1  }
0x15: {  	[smem:$0x3FB1] =	sst s0;
	s0 =	simm.s32 @!p2 $0x0  }
0x16: {  	s3 =	sld [smem:$0x3FDB];
	s0 =	simm.s32 @p2 $0x1  }
0x17: {  	s4 =	simm.s32 $0x1BF5;
	[smem:$0x3FB3] =	sst s0  }
0x18: {  	s0 =	sld [smem:$0x3F96];
	_ =	swait.ge [sflag:s4], $0x0  }
0x19: {  	s7 =	sld [smem:$0x3F97]  }
0x1a: {  	s8 =	sadd.s32 $0xFFFFE003, lr  }
0x1b: {  	s9 =	sadd.s32 $0xFFFFFEF7, lr;
	s5 =	simm.s32 $0xFFFFFFFF;
	p2 =	slt.u32 s8, $0xFFFFF086  }
0x1c: {  	p1 =	slt.u32 s9, $0xF7A;
	s5 =	simm.s32 @!p2 $0x0  }
0x1d: {  	s5 =	simm.s32 @p1 $0x1;
	p0 =	seq.s32 s7, s2  }
0x1e: {  	s7 =	smul.u32 @!p0 $0xF7A, s2;
	p2 =	seq.s32 @!p0 s5, $0x0  }
0x1f: {  	s9 =	smul.u32 $0xF7A, s1;
	s8 =	simm.s32 @!p0 $0x1BF5;
	p2 =	por !p2, p0  }
0x20: {  	[sflag:s8] =	ssyncset.s32 @!p0 $0xFFFFF086;
	s6 =	sadd.s32 @!p0 s3, s7;
	s7 =	simm.s32 @!p0 $0x108  }
0x21: {  	s3 =	sadd.s32 s3, s9;
	s6 =	sadd.s32 @!p0 $0x88, s6;
	s7 =	simm.s32 @p2 $0x1082  }
0x22: {  	[simem:s7], [sflag:s8] =	dma.local @!p0 [hbm:s6], $0xF7A  }
0x23: {  	s9 =	sor.u32 $0xD0000000, s2;
	s6 =	simm.s32 $0x108;
	_ =	swait.ge @!p0 [sflag:s8], $0x0  }
0x24: {  	s3 =	sadd.s32 $0x88, s3;
	s6 =	simm.s32 @!p1 $0x1082;
	[sflag:s4] =	ssyncset.s32 $0xFFFFF086  }
0x25: {  	[simem:s6], [sflag:s4] =	dma.local [hbm:s3], $0xF7A  }
0x26: {  	[smem:$0x3F97] =	sst s1;
	(tag) =	ssettag s2;
	_ =	strace s9  }
0x27: {  	s1 =	sld [smem:$0x3FA7]  }
0x28: {  	s2 =	sld [smem:$0x3FA8]  }
0x29: {  	s4 =	sld [smem:$0x3FAA]  }
0x2a: {  	p0 =	seq.s32 s5, $0x0;
	s5 =	sld [smem:$0x3FAB]  }
0x2b: {  	s6 =	sld [smem:$0x3FAC]  }
0x2c: {  	s7 =	sld [smem:$0x3FAD]  }
0x2d: {  	s3 =	simm.s32 $0x108;
	s8 =	sld [smem:$0x3FAE]  }
0x2e: {  	s3 =	simm.s32 @!p0 $0x1082;
	s9 =	sld [smem:$0x3FAF]  }
0x2f: {  	lr =	sadd.s32 s0, s3;
	s0 =	sld [smem:$0x3FA6]  }
0x30: {  	s3 =	sld [smem:$0x3FA9]  }
0x31: {  	[smem:$0x3FB2] =	sst s10  }
0x32: {  	s10 =	sld [smem:$0x3FB0];
	_ =	sdelay $0x3  }
0x33: {  	p0 =	seq.s32 s10, $0x1;
	s10 =	sld [smem:$0x3FB2];
	_ =	sdelay $0x3  }
0x34: {  	[smem:$0x3FB2] =	sst s10  }
0x35: {  	s10 =	sld [smem:$0x3FB1];
	_ =	sdelay $0x3  }
0x36: {  	p1 =	seq.s32 s10, $0x1;
	s10 =	sld [smem:$0x3FB2];
	_ =	sdelay $0x3  }
0x37: {  	[smem:$0x3FB2] =	sst s10  }
0x38: {  	s10 =	sld [smem:$0x3FB3]  }
0x39: {  	_ = 	snop;
	(pc) =	sbr.ind lr, $3  }
0x3a: {  	_ = 	snop  }
0x3b: {  	_ = 	snop  }
0x3c: {  	p2 =	seq.s32 s10, $0x1;
	s10 =	sld [smem:$0x3FB2]  }
0x3d: {  	_ =	shalt  }
0x3e: {  	_ =	shalt  }
0x3f: {  	_ =	shalt  }
0x40: {  	_ =	shalt  }
0x41: {  	_ =	shalt  }
0x42: {  	_ =	shalt  }
0x43: {  	_ =	shalt  }
0x44: {  	_ =	shalt  }
0x45: {  	_ =	shalt  }
0x46: {  	_ =	shalt  }
0x47: {  	_ =	shalt  }
0x48: {  	_ =	shalt  }
0x49: {  	_ =	shalt  }
0x4a: {  	_ =	shalt  }
0x4b: {  	_ =	shalt  }
0x4c: {  	_ =	shalt  }
0x4d: {  	_ =	shalt  }
0x4e: {  	_ =	shalt  }
0x4f: {  	_ =	shalt  }
0x50: {  	_ =	shalt  }
0x51: {  	_ =	shalt  }
0x52: {  	_ =	shalt  }
0x53: {  	_ =	shalt  }
0x54: {  	_ =	shalt  }
0x55: {  	_ =	shalt  }
0x56: {  	_ =	shalt  }
0x57: {  	_ =	shalt  }
0x58: {  	_ =	shalt  }
0x59: {  	_ =	shalt  }
0x5a: {  	_ =	shalt  }
0x5b: {  	_ =	shalt  }
0x5c: {  	_ =	shalt  }
0x5d: {  	_ =	shalt  }
0x5e: {  	_ =	shalt  }
0x5f: {  	_ =	shalt  }
0x60: {  	_ =	shalt  }
0x61: {  	_ =	shalt  }
0x62: {  	_ =	shalt  }
0x63: {  	_ =	shalt  }
0x64: {  	_ =	shalt  }
0x65: {  	_ =	shalt  }
0x66: {  	_ =	shalt  }
0x67: {  	_ =	shalt  }
0x68: {  	_ =	shalt  }
0x69: {  	_ =	shalt  }
0x6a: {  	_ =	shalt  }
0x6b: {  	_ =	shalt  }
0x6c: {  	_ =	shalt  }
0x6d: {  	_ =	shalt  }
0x6e: {  	_ =	shalt  }
0x6f: {  	_ =	shalt  }
0x70: {  	_ =	shalt  }
0x71: {  	_ =	shalt  }
0x72: {  	_ =	shalt  }
0x73: {  	_ =	shalt  }
0x74: {  	_ =	shalt  }
0x75: {  	_ =	shalt  }
0x76: {  	_ =	shalt  }
0x77: {  	_ =	shalt  }
0x78: {  	_ =	shalt  }
0x79: {  	_ =	shalt  }
0x7a: {  	_ =	shalt  }
0x7b: {  	_ =	shalt  }
0x7c: {  	_ =	shalt  }
0x7d: {  	_ =	shalt  }
0x7e: {  	_ =	shalt  }
0x7f: {  	_ =	shalt  }
0x80: {  	_ =	shalt  }
0x81: {  	_ =	shalt  }
0x82: {  	_ =	shalt  }
0x83: {  	_ =	shalt  }
0x84: {  	_ =	shalt  }
0x85: {  	_ =	shalt  }
0x86: {  	_ =	shalt  }
0x87: {  	_ =	shalt  }
.Lfunc_end0:
.L_simem_size_0:
called_computation.1_lowered:
.L_overlay_start_0:
0x88: {  	s2 =	sld [smem:$0x3FD9]  }
0x89: {  	s3 =	sld [smem:$0x3FFE];
	_ =	sdelay $0x1  }
0x8a: {  	s1 =	srdreg.scid  }
0x8b: {  	s0 =	sand.u32 $0x1, s1  }
0x8c: {  	s14 =	sshll.u32 s0, $0xA;
	s2 =	sadd.s32 s3, s2  }
0x8d: {  	s2 =	sadd.s32 s2, s14  }
0x8e: {  	[smem:$0x3FBE] =	sst s2  }
0x8f: {  	_ = 	snop  }
0x90: {  	s2 =	sld [smem:$0x3FD0];
	_ =	sdelay $0x2  }
0x91: {  	s15 =	simm.s32 $0xA;
	s4 =	simm.s32 $0x10  }
0x92: {  	[smem:s4], [sflag:s15] =	dma.local [hbm:s2], $0x1  }
0x93: {  	_ =	swait.eq [sflag:s15], $0x1  }
0x94: {  	[sflag:s15] =	ssyncset.done $0x0  }
0x95: {  	[sflag:s15] =	ssyncadd.s32 $0xFFFFFFFF  }
0x96: {  	s16 =	sld [smem:$0x13];
	(tm) =	ssettm $0x1  }
0x97: {  	s17 =	sld [smem:$0x3FFB];
	_ =	sdelay $0x3  }
0x98: {  	_ =	strace s17  }
0x99: {  	s3 =	sld [smem:$0x3FFC];
	_ =	sdelay $0x3  }
0x9a: {  	_ =	strace s3  }
0x9b: {  	s3 =	sld [smem:$0x3FFD];
	_ =	sdelay $0x3  }
0x9c: {  	_ =	strace s3  }
0x9d: {  	_ =	strace $0x8FFFFFFF  }
0x9e: {  	s18 =	sld [smem:$0x3FDB];
	_ =	sdelay $0x1  }
0x9f: {  	s19 =	simm.s32 $_scs_section_size  }
0xa0: {  	s5 =	simm.s32 $_size__tile_overlayer_lowered;
	s6 =	simm.s32 $_tile_overlayer_lowered  }
0xa1: {  	s22 =	simm.s32 $0x1BFF;
	s21 =	sshll.u32 s6, $0x1;
	s3 =	sadd.s32 s19, s18  }
0xa2: {  	s7 =	simm.s32 $0x0;
	s20 =	sshll.u32 s5, $0x1;
	s5 =	sadd.s32 s21, s3  }
0xa3: {  	[timem:s7], [sflag:s22] =	dma.local [hbm:s5], s20  }
0xa4: {  	_ =	swait.ge [sflag:s22], s20  }
0xa5: {  	s4 =	ssub.s32 $0x0, s20;
	[sflag:s22] =	ssyncset.done $0x0  }
0xa6: {  	[sflag:s22] =	ssyncadd.s32 s4;
	_ =	sdelay $0x1  }
0xa7: {  	s23 =	simm.s32 $0x1B8B  }
0xa8: {  	_ =	swait.ge [sflag:s23], $0x1  }
0xa9: {  	[sflag:s23] =	ssyncset.done $0x0  }
0xaa: {  	s25 =	simm.s32 $0x1B8E;
	s24 =	sld [smem:$0x3FFE];
	[sflag:s23] =	ssyncadd.s32 $0xFFFFFFFF  }
0xab: {  	s26 =	simm.s32 $execute0_lowered;
	[smem:$0x3FD2] =	sst s25  }
0xac: {  	s5 =	sshll.u32 s26, $0x1;
	_ =	strace $0x80000049;
	[dreg:$0x1] =	wrdreg $0xFFFFFFFF  }
0xad: {  	s28 =	simm.s32 $_size_execute0_lowered;
	s3 =	sadd.s32 s3, s5;
	[dreg:$0x0] =	wrdreg $0x0  }
0xae: {  	s5 =	sshll.u32 s28, $0x1;
	[dreg:$0x2] =	wrdreg s3  }
0xaf: {  	[dreg:$0x3] =	wrdreg s5  }
0xb0: {  	[dreg:$0x4] =	wrdreg $0xC0  }
0xb1: {  	_ =	task [dreg:s7], $0x5FFFF  }
0xb2: {  	[dreg:$0x1] =	wrdreg $0xFFFFFFFF  }
0xb3: {  	[dreg:$0x0] =	wrdreg $0x60  }
0xb4: {  	[dreg:$0x2] =	wrdreg s24  }
0xb5: {  	[dreg:$0x3] =	wrdreg s16  }
0xb6: {  	[dreg:$0x4] =	wrdreg $0x9  }
0xb7: {  	_ =	task.clear_ibuf [dreg:s7], $0x5FFFF;
	_ =	strace $0x90000049  }
0xb8: {  	s29 =	simm.s32 $0x9;
	_ =	strace $0x8000004B  }
0xb9: {  	_ =	swait.ge [sflag:s29], $0x1  }
0xba: {  	[sflag:s29] =	ssyncadd.s32 $0xFFFFFFFF  }
0xbb: {  	_ =	strace $0x9000004B  }
0xbc: {  	_ =	sfence  }
0xbd: {  	s30 =	sld [smem:$0x0];
	_ =	sdelay $0x2  }
0xbe: {  	s31 =	sshll.u32 s1, $0xD;
	s1 =	sshrl.u32 s1, $0x2  }
0xbf: {  	s3 =	sand.u32 $0x4000, s31;
	s1 =	sadd.s32 s1, s30  }
0xc0: {  	s0 =	sor.u32 s3, s0;
	s1 =	sshll.u32 s1, $0x11  }
0xc1: {  	s0 =	sor.u32 s1, s0  }
0xc2: {  	s0 =	sadd.s32 $0x8F2B, s0  }
0xc3: {  	[sflag:s0] =	ssyncadd.remote.s32 $0x1  }
0xc4: {  	_ =	sfence.sel $0xFFFF  }
0xc5: {  	[dreg:$0x0] =	wrdreg $0xFFFFFFFF;
	(pc) =	sbr.abs _section_cstart, $3  }
0xc6: {  	[dreg:$0x1] =	wrdreg $0xFFFFFFFF  }
0xc7: {  	_ =	task.clear_ibuf [dreg:s7], $0x2FFFF;
	_ =	strace $0x9FFFFFFF  }
0xc8: {  	(tm) =	ssettm $0x7FFFFFFF  }
0xc9: {  	_ =	shalt  }
tec
execute0_lowered:
.L_overlay_start_1:
0x0: {  	(tag) =	ssettag $0x1  }
0x1: {  	s15 =	rddreg [dreg:$0x0]  }
0x2: {  	s1 =	srdreg.scid;
	s0 =	stileid.u32  }
0x3: {  	s20 =	rddreg [dreg:$0x1];
	s22 =	sand.u32 $0x1, s1;
	s3 =	sshll.u32 s0, $0x1  }
0x4: {  	s2 =	simm.s32 $0x0;
	s4 =	simm.s32 $0x2;
	s16 =	sor.u32 s22, s3  }
0x5: {  	[smem:$0x7FF] =	sst s2;
	s3 =	sadd.s32 $0x7E00, s15;
	s12 =	sshll.u32 s16, $0x2  }
0x6: {  	s1 =	rddreg [dreg:$0x2];
	_ =	strace $0x8000004A;
	s5 =	sadd.s32 s3, s12  }
0x7: {  	[tilespmem:s2], [sflag:$0x2] =	stream.linear.gather [hbm4b:s5+s2], $0x20, $0x38;
	[tilespmem:$0x280] =	vst v63  }
0x8: {  	_ =	swait.ge [sflag:s4], $0x20  }
0x9: {  	s7 =	simm.s32 $0x20;
	s8 =	simm.s32 $0x80;
	[sflag:s4] =	ssyncset.done $0x0  }
0xa: {  	s9 =	simm.s32 $0x1;
	s6 =	sadd.s32 $0x4600, s15;
	[sflag:s4] =	ssyncadd.s32 $0xFFFFFFE0  }
0xb: {  	[tilespmem:s8], [sflag:$0x1] =	stream.indirect.gather [hbm4b:s6+s7], $0x1, s2, s7, $0xb8;
	[tilespmem:$0x280] =	vst v63  }
0xc: {  	_ =	swait.ge [sflag:s9], $0x20  }
0xd: {  	s14 =	sadd.s32 s12, s15;
	[sflag:s9] =	ssyncset.done $0x0  }
0xe: {  	s10 =	sadd.s32 $0xC00, s14;
	[sflag:s9] =	ssyncadd.s32 $0xFFFFFFE0  }
0xf: {  	[hbm4b:s10+s2] =	stream.linear.scatter [tilespmem:s8], [sflag:$0x2], $0x20, $0x38;
	[tilespmem:$0x280] =	vst v63  }
0x10: {  	_ =	swait.ge [sflag:s4], $0x20  }
0x11: {  	s11 =	sadd.s32 $0x8000, s15;
	[sflag:s4] =	ssyncset.done $0x0  }
0x12: {  	s12 =	sadd.s32 s11, s12;
	[sflag:s4] =	ssyncadd.s32 $0xFFFFFFE0  }
0x13: {  	[tilespmem:s2], [sflag:$0x2] =	stream.linear.gather [hbm4b:s12+s2], $0x20, $0x38;
	[tilespmem:$0x280] =	vst v63  }
0x14: {  	_ =	swait.ge [sflag:s4], $0x20  }
0x15: {  	[sflag:s4] =	ssyncset.done $0x0  }
0x16: {  	s13 =	sadd.s32 $0x6400, s15;
	[sflag:s4] =	ssyncadd.s32 $0xFFFFFFE0  }
0x17: {  	[tilespmem:s8], [sflag:$0x1] =	stream.indirect.gather [hbm4b:s13+s7], $0x1, s2, s7, $0xb8;
	[tilespmem:$0x280] =	vst v63  }
0x18: {  	_ =	swait.ge [sflag:s9], $0x20  }
0x19: {  	[sflag:s9] =	ssyncset.done $0x0  }
0x1a: {  	s14 =	sadd.s32 $0xE00, s14;
	[sflag:s9] =	ssyncadd.s32 $0xFFFFFFE0  }
0x1b: {  	[hbm4b:s14+s2] =	stream.linear.scatter [tilespmem:s8], [sflag:$0x2], $0x20, $0x38;
	[tilespmem:$0x280] =	vst v63  }
0x1c: {  	s21 =	sshll.u32 s16, $0x3;
	_ =	swait.ge [sflag:s4], $0x20  }
0x1d: {  	s23 =	sadd.s32 s21, s15;
	[sflag:s4] =	ssyncset.done $0x0  }
0x1e: {  	s16 =	simm.s32 $0x100;
	s15 =	sadd.s32 $0x8200, s23;
	[sflag:s4] =	ssyncadd.s32 $0xFFFFFFE0  }
0x1f: {  	[tilespmem:s16], [sflag:$0x2] =	stream.linear.gather [hbm4b:s15+s2], $0x40, $0x38;
	[tilespmem:$0x280] =	vst v63  }
0x20: {  	_ =	swait.ge [sflag:s4], $0x40  }
0x21: {  	[sflag:s4] =	ssyncset.done $0x0  }
0x22: {  	s17 =	simm.s32 $0x40;
	s18 =	simm.s32 $0x180;
	[sflag:s4] =	ssyncadd.s32 $0xFFFFFFC0  }
0x23: {  	[tilespmem:s18], [sflag:$0x1] =	stream.indirect.gather [hbm4b:s11+s17], $0x1, s16, s17, $0xb8;
	[tilespmem:$0x280] =	vst v63  }
0x24: {  	_ =	swait.ge [sflag:s9], $0x40  }
0x25: {  	[sflag:s9] =	ssyncset.done $0x0  }
0x26: {  	s19 =	simm.s32 $0x200;
	[sflag:s9] =	ssyncadd.s32 $0xFFFFFFC0  }
0x27: {  	[tilespmem:s19], [sflag:$0x1] =	stream.indirect.gather [hbm4b:s13+s17], $0x1, s18, s17, $0xb8;
	[tilespmem:$0x280] =	vst v63  }
0x28: {  	_ =	swait.ge [sflag:s9], $0x40  }
0x29: {  	[sflag:s9] =	ssyncset.done $0x0  }
0x2a: {  	s20 =	sadd.s32 s20, s21;
	[sflag:s9] =	ssyncadd.s32 $0xFFFFFFC0  }
0x2b: {  	[hbm4b:s20+s2] =	stream.linear.scatter [tilespmem:s19], [sflag:$0x2], $0x40, $0x38;
	[tilespmem:$0x280] =	vst v63  }
0x2c: {  	_ =	swait.ge [sflag:s4], $0x40  }
0x2d: {  	[sflag:s4] =	ssyncset.done $0x0  }
0x2e: {  	s21 =	sadd.s32 $0x8400, s23;
	[sflag:s4] =	ssyncadd.s32 $0xFFFFFFC0  }
0x2f: {  	[tilespmem:s16], [sflag:$0x2] =	stream.linear.gather [hbm4b:s21+s2], $0x40, $0x38;
	[tilespmem:$0x280] =	vst v63  }
0x30: {  	_ =	swait.ge [sflag:s4], $0x40  }
0x31: {  	[sflag:s4] =	ssyncset.done $0x0  }
0x32: {  	s22 =	ssub.s32 $0x2, s22;
	[sflag:s4] =	ssyncadd.s32 $0xFFFFFFC0  }
0x33: {  	[tilespmem:s18], [sflag:$0x1] =	stream.indirect.gather [hbm4b:s3+s17], $0x1, s16, s17, $0xb8;
	[tilespmem:$0x280] =	vst v63  }
0x34: {  	s24 =	sshrl.u32 s22, $0x1;
	_ =	swait.ge [sflag:s9], $0x40  }
0x35: {  	s24 =	ssub.s32 s22, s24;
	[sflag:s9] =	ssyncset.done $0x0  }
0x36: {  	s31 =	smax.u32 s24, $0x1;
	[sflag:s9] =	ssyncadd.s32 $0xFFFFFFC0  }
0x37: {  	[tilespmem:s19], [sflag:$0x1] =	stream.indirect.gather [hbm4b:s6+s17], $0x1, s18, s17, $0xb8;
	[tilespmem:$0x280] =	vst v63  }
0x38: {  	p0 =	sne.s32 s31, $0x1;
	_ =	swait.ge [sflag:s9], $0x40  }
.Ltmp0:
0x39: {  	[sflag:s9] =	ssyncset.done $0x0;
	(pc) =	sbr.rel @!p0 .LBB2_2-.Ltmp0, $4  }
0x3a: {  	s22 =	sadd.s32 $0xA00, s23;
	[sflag:s9] =	ssyncadd.s32 $0xFFFFFFC0  }
0x3b: {  	[hbm4b:s22+s2] =	stream.linear.scatter [tilespmem:s19], [sflag:$0x2], $0x40, $0x38;
	[tilespmem:$0x280] =	vst v63  }
0x3c: {  	_ =	swait.ge [sflag:s4], $0x40  }
0x3d: {  	s23 =	sadd.s32 $0xFFFFFFFF, s31;
	[sflag:s4] =	ssyncset.done $0x0  }
.LBB2_1:
0x3e: {  	p0 =	sne.s32 s23, $0x1;
	s23 =	sadd.s32 $0xFFFFFFFF, s23;
	[sflag:s4] =	ssyncadd.s32 $0xFFFFFFC0  }
0x3f: {  	[tilespmem:s2], [sflag:$0x2] =	stream.linear.gather [hbm4b:s5+s2], $0x20, $0x38;
	[tilespmem:$0x280] =	vst v63  }
0x40: {  	_ =	swait.ge [sflag:s4], $0x20  }
0x41: {  	[sflag:s4] =	ssyncset.done $0x0  }
0x42: {  	[sflag:s4] =	ssyncadd.s32 $0xFFFFFFE0  }
0x43: {  	[tilespmem:s8], [sflag:$0x1] =	stream.indirect.gather [hbm4b:s6+s7], $0x1, s2, s7, $0xb8;
	[tilespmem:$0x280] =	vst v63  }
0x44: {  	_ =	swait.ge [sflag:s9], $0x20  }
0x45: {  	[sflag:s9] =	ssyncset.done $0x0  }
0x46: {  	[sflag:s9] =	ssyncadd.s32 $0xFFFFFFE0  }
0x47: {  	[hbm4b:s10+s2] =	stream.linear.scatter [tilespmem:s8], [sflag:$0x2], $0x20, $0x38;
	[tilespmem:$0x280] =	vst v63  }
0x48: {  	_ =	swait.ge [sflag:s4], $0x20  }
0x49: {  	[sflag:s4] =	ssyncset.done $0x0  }
0x4a: {  	[sflag:s4] =	ssyncadd.s32 $0xFFFFFFE0  }
0x4b: {  	[tilespmem:s2], [sflag:$0x2] =	stream.linear.gather [hbm4b:s12+s2], $0x20, $0x38;
	[tilespmem:$0x280] =	vst v63  }
0x4c: {  	_ =	swait.ge [sflag:s4], $0x20  }
0x4d: {  	[sflag:s4] =	ssyncset.done $0x0  }
0x4e: {  	[sflag:s4] =	ssyncadd.s32 $0xFFFFFFE0  }
0x4f: {  	[tilespmem:s8], [sflag:$0x1] =	stream.indirect.gather [hbm4b:s13+s7], $0x1, s2, s7, $0xb8;
	[tilespmem:$0x280] =	vst v63  }
0x50: {  	_ =	swait.ge [sflag:s9], $0x20  }
0x51: {  	[sflag:s9] =	ssyncset.done $0x0  }
0x52: {  	[sflag:s9] =	ssyncadd.s32 $0xFFFFFFE0  }
0x53: {  	[hbm4b:s14+s2] =	stream.linear.scatter [tilespmem:s8], [sflag:$0x2], $0x20, $0x38;
	[tilespmem:$0x280] =	vst v63  }
0x54: {  	_ =	swait.ge [sflag:s4], $0x20  }
0x55: {  	[sflag:s4] =	ssyncset.done $0x0  }
0x56: {  	[sflag:s4] =	ssyncadd.s32 $0xFFFFFFE0  }
0x57: {  	[tilespmem:s16], [sflag:$0x2] =	stream.linear.gather [hbm4b:s15+s2], $0x40, $0x38;
	[tilespmem:$0x280] =	vst v63  }
0x58: {  	_ =	swait.ge [sflag:s4], $0x40  }
0x59: {  	[sflag:s4] =	ssyncset.done $0x0  }
0x5a: {  	[sflag:s4] =	ssyncadd.s32 $0xFFFFFFC0  }
0x5b: {  	[tilespmem:s18], [sflag:$0x1] =	stream.indirect.gather [hbm4b:s11+s17], $0x1, s16, s17, $0xb8;
	[tilespmem:$0x280] =	vst v63  }
0x5c: {  	_ =	swait.ge [sflag:s9], $0x40  }
0x5d: {  	[sflag:s9] =	ssyncset.done $0x0  }
0x5e: {  	[sflag:s9] =	ssyncadd.s32 $0xFFFFFFC0  }
0x5f: {  	[tilespmem:s19], [sflag:$0x1] =	stream.indirect.gather [hbm4b:s13+s17], $0x1, s18, s17, $0xb8;
	[tilespmem:$0x280] =	vst v63  }
0x60: {  	_ =	swait.ge [sflag:s9], $0x40  }
0x61: {  	[sflag:s9] =	ssyncset.done $0x0  }
0x62: {  	[sflag:s9] =	ssyncadd.s32 $0xFFFFFFC0  }
0x63: {  	[hbm4b:s20+s2] =	stream.linear.scatter [tilespmem:s19], [sflag:$0x2], $0x40, $0x38;
	[tilespmem:$0x280] =	vst v63  }
0x64: {  	_ =	swait.ge [sflag:s4], $0x40  }
0x65: {  	[sflag:s4] =	ssyncset.done $0x0  }
0x66: {  	[sflag:s4] =	ssyncadd.s32 $0xFFFFFFC0  }
0x67: {  	[tilespmem:s16], [sflag:$0x2] =	stream.linear.gather [hbm4b:s21+s2], $0x40, $0x38;
	[tilespmem:$0x280] =	vst v63  }
0x68: {  	_ =	swait.ge [sflag:s4], $0x40  }
0x69: {  	[sflag:s4] =	ssyncset.done $0x0  }
0x6a: {  	[sflag:s4] =	ssyncadd.s32 $0xFFFFFFC0  }
0x6b: {  	[tilespmem:s18], [sflag:$0x1] =	stream.indirect.gather [hbm4b:s3+s17], $0x1, s16, s17, $0xb8;
	[tilespmem:$0x280] =	vst v63  }
0x6c: {  	_ =	swait.ge [sflag:s9], $0x40  }
0x6d: {  	[sflag:s9] =	ssyncset.done $0x0  }
0x6e: {  	[sflag:s9] =	ssyncadd.s32 $0xFFFFFFC0  }
0x6f: {  	[tilespmem:s19], [sflag:$0x1] =	stream.indirect.gather [hbm4b:s6+s17], $0x1, s18, s17, $0xb8;
	[tilespmem:$0x280] =	vst v63  }
0x70: {  	_ =	swait.ge [sflag:s9], $0x40  }
.Ltmp1:
0x71: {  	[sflag:s9] =	ssyncset.done $0x0;
	(pc) =	sbr.rel @p0 .LBB2_1-.Ltmp1, $4  }
0x72: {  	[sflag:s9] =	ssyncadd.s32 $0xFFFFFFC0  }
0x73: {  	[hbm4b:s22+s2] =	stream.linear.scatter [tilespmem:s19], [sflag:$0x2], $0x40, $0x38;
	[tilespmem:$0x280] =	vst v63  }
0x74: {  	_ =	swait.ge [sflag:s4], $0x40  }
0x75: {  	[sflag:s4] =	ssyncset.done $0x0  }
.LBB2_2:
0x76: {  	[sflag:s4] =	ssyncadd.s32 $0xFFFFFFC0  }
0x77: {  	_ =	sfence.sel $0x180000  }
0x78: {  	[bflag:$0x0] =	sbarrier.arrive $0xFFFF  }
0x79: {  	p0 =	sne.s32 s0, $0x0;
	_ =	strace $0x9000004A  }
0x7a: {  	s0 =	sadd.s32 @!p0 $0x100000, s1;
	[bflag:$0x2] =	sbarrier.arrive $0xFFFF  }
0x7b: {  	[sflag:s0] =	ssyncadd.tile.s32 @!p0 $0x1;
	_ =	shalt  }
.Lfunc_end2:
_tile_overlayer_lowered:
.L_overlay_start_2:
0x7c: {  	(tag) =	ssettag $0x2  }
0x7d: {  	s0 =	rddreg [dreg:$0x0];
	s2 =	stileid.u32  }
0x7e: {  	s1 =	rddreg [dreg:$0x1];
	p0 =	sne.s32 s2, $0x0  }
0x7f: {  	s3 =	rddreg [dreg:$0x2];
	[bflag:$0x3] =	sbarrier.arrive $0xFFFF;
	s2 =	simm.s32 @!p0 $0x1C02  }
0x80: {  	[timem:s3], [sflag:s2] =	dma.local @!p0 [hbm:s0], s1  }
0x81: {  	s0 =	simm.s32 @!p0 $0x2  }
0x82: {  	_ =	swait.ge @!p0 [sflag:s0], s1  }
0x83: {  	s1 =	ssub.s32 @!p0 $0x0, s1;
	[sflag:s0] =	ssyncset.done @!p0 $0x0  }
0x84: {  	[sflag:s0] =	ssyncadd.s32 @!p0 s1  }
0x85: {  	[bflag:$0x3] =	sbarrier.arrive $0xFFFF  }
0x86: {  	_ =	shalt  }

</sc_bundles>
